<compile_context>
chip_gen: v7x
topology: tpu7x:2x2x1
jax: 0.10.2.dev20260603
libtpu: 0.0.44.dev20260713+nightly
codegen_flags: <defaults>
</compile_context>

<pallas_src>
import jax
import jax.numpy as jnp
from jax import lax
from jax.experimental import pallas as pl
from jax.experimental.pallas import tpu as pltpu
from jax.experimental.pallas import tpu_sc as plsc

_NW = 32
_W = 128
_TCH = 128


def _gather_body(
    table_hbm, ids_hbm, out_hbm, table_sh, idx_v, buf0, buf1, sg, so0, so1
):
    s = lax.axis_index("s")
    w = lax.axis_index("c") * 16 + s
    ch = ids_hbm.shape[0]
    d = table_hbm.shape[1]
    tokens = out_hbm.shape[0]
    tok_w = tokens // _NW
    n_chunks = tok_w // _TCH
    tok_base = w * tok_w

    n_sh = table_sh.shape[0]

    @pl.when(s == 0)
    def _():
        pltpu.sync_copy(table_hbm.at[pl.ds(0, n_sh), :], table_sh)

    plsc.subcore_barrier()

    bufs = (buf0, buf1)
    sems = (so0, so1)
    half = idx_v.shape[1]

    def wb_dst(c, j):
        return out_hbm.at[pl.ds(tok_base + c * _TCH, _TCH), pl.ds(j * d, d)]

    for h in range(n_chunks // half):
        pltpu.sync_copy(ids_hbm.at[:, w, pl.ds(h * half, half), :], idx_v)

        @pl.loop(0, half, step=2)
        def _(g):
            for b in range(2):
                buf = bufs[b]
                so = sems[b]
                c = h * half + g + b

                @pl.when(c >= 2)
                def _():
                    for j in range(ch):
                        pltpu.make_async_copy(
                            buf.at[j], wb_dst(0, j), so
                        ).wait()

                for j in range(ch):
                    pltpu.async_copy(
                        table_sh.at[idx_v.at[j, g + b]], buf.at[j], sg
                    )
                for j in range(ch):
                    pltpu.make_async_copy(
                        table_sh.at[idx_v.at[j, g + b]], buf.at[j], sg
                    ).wait()

                for j in range(ch):
                    pltpu.async_copy(buf.at[j], wb_dst(c, j), so)

    for buf, so in ((buf0, so0), (buf1, so1)):
        for j in range(ch):
            pltpu.make_async_copy(buf.at[j], wb_dst(0, j), so).wait()


def kernel(input_ids, r_table, g_table, b_table):
    b, t, c = input_ids.shape
    v, d = r_table.shape
    tokens = b * t

    table = jnp.concatenate([r_table, g_table, b_table], axis=0)
    offsets = jnp.arange(c, dtype=input_ids.dtype) * v
    ids3 = lax.reshape(
        input_ids, (c, _NW, tokens // _W // _NW, _W), dimensions=(2, 0, 1)
    )
    ids3 = ids3 + offsets[:, None, None, None]

    mesh = plsc.VectorSubcoreMesh(core_axis_name="c", subcore_axis_name="s")
    gather = pl.kernel(
        _gather_body,
        out_type=jax.ShapeDtypeStruct((tokens, c * d), jnp.float32),
        mesh=mesh,
        compiler_params=pltpu.CompilerParams(
            internal_scratch_in_bytes=128 * 1024,
        ),
        scratch_types=[
            pltpu.VMEM_SHARED((c * v, d), jnp.float32),
            pltpu.VMEM((c, tokens // _W // _NW // 2, _W), jnp.int32),
            pltpu.VMEM((c, _TCH, d), jnp.float32),
            pltpu.VMEM((c, _TCH, d), jnp.float32),
            pltpu.SemaphoreType.DMA,
            pltpu.SemaphoreType.DMA,
            pltpu.SemaphoreType.DMA,
        ],
    )
    out = gather(table, ids3)
    return out.reshape(b, t, c * d)

# --- scband reference (transcript-rebuilt; emitter-appended) ---
"""Pipeline reference for scband-embedding-17635135717417 (READ-ONLY COPY).

The authoritative reference and input builder live on the scoring server;
editing this copy changes nothing except your own understanding.
"""

import jax, jax.numpy as jnp
import numpy as np

VOCAB = 256 * 2
DIM = 128

def setup_inputs(seed: int = 0) -> dict:
    key = jax.random.key(seed)
    k_ids, k_r, k_g, k_b = jax.random.split(key, 4)
    input_ids = jax.random.randint(k_ids, (64, 4096, 3), 0, VOCAB, dtype=jnp.int64 if jax.config.jax_enable_x64 else jnp.int32)
    # nn.Embedding default init: N(0, 1)
    r_table = jax.random.normal(k_r, (VOCAB, DIM), dtype=jnp.float32)
    g_table = jax.random.normal(k_g, (VOCAB, DIM), dtype=jnp.float32)
    b_table = jax.random.normal(k_b, (VOCAB, DIM), dtype=jnp.float32)
    return {"input_ids": input_ids, "r_table": r_table, "g_table": g_table, "b_table": b_table}

def reference(input_ids, r_table, g_table, b_table):
    assert input_ids.ndim == 3
    assert input_ids.shape[-1] == 3
    r = jnp.take(r_table, input_ids[:, :, 0], axis=0)
    g = jnp.take(g_table, input_ids[:, :, 1], axis=0)
    b = jnp.take(b_table, input_ids[:, :, 2], axis=0)
    return jnp.concatenate([r, g, b], axis=-1)

if __name__ == "__main__":
    import jax
    _d = setup_inputs()
    print(jax.jit(kernel)(*tuple(_d.values())))

</pallas_src>

<mosaic_0001>
#map = affine_map<(d0, d1) -> (0, 0)>
#map1 = affine_map<(d0, d1) -> (0, 0, 0, 0)>
module attributes {stable_mosaic.version = 14 : i64} {
  func.func @_gather_body(%arg0: i32, %arg1: i32, %arg2: memref<1536x128xf32, #tpu.memory_space<hbm>>, %arg3: memref<3x32x64x128xi32, #tpu.memory_space<hbm>>, %arg4: memref<262144x384xf32, #tpu.memory_space<hbm>>, %arg5: memref<1536x128xf32, #tpu.memory_space<vmem_shared>>, %arg6: memref<3x32x128xi32, #tpu.memory_space<vmem>>, %arg7: memref<3x128x128xf32, #tpu.memory_space<vmem>>, %arg8: memref<3x128x128xf32, #tpu.memory_space<vmem>>, %arg9: memref<!tpu.dma_semaphore, #tpu.memory_space<semaphore_mem>>, %arg10: memref<!tpu.dma_semaphore, #tpu.memory_space<semaphore_mem>>, %arg11: memref<!tpu.dma_semaphore, #tpu.memory_space<semaphore_mem>>) attributes {dimension_semantics = [#tpu.dimension_semantics<core_parallel>, #tpu.dimension_semantics<subcore_parallel>], iteration_bounds = array<i64: 2, 16>, scalar_prefetch = 0 : i64, scratch_operands = 7 : i64, tpu.core_type = #tpu.core_type<sc_vector_subcore>, window_params = [{transform_indices = #map}, {transform_indices = #map1}, {transform_indices = #map}]} {
    %mul3A = arith.constant 16 : i32
    %mul3A_0 = arith.muli %arg0, %mul3A : i32
    %add3A = arith.addi %mul3A_0, %arg1 : i32
    %mul3A_1 = arith.constant 8192 : i32
    %mul3A_2 = arith.muli %add3A, %mul3A_1 : i32
    %eq3A = arith.constant 0 : i32
    %eq3A_3 = arith.cmpi eq, %arg1, %eq3A : i32
    %convert_element_type3A = arith.extui %eq3A_3 : i1 to i32
    %cond3A = arith.constant 0 : i32
    %cond3A_4 = arith.cmpi ne, %convert_element_type3A, %cond3A : i32
    scf.if %cond3A_4 {
      "tpu.region"() ({
        %run_scoped3A = tpu.sem_alloc : memref<!tpu.dma_semaphore, #tpu.memory_space<semaphore_mem>>
        %dma_start3A = arith.constant 0 : i32
        %dma_start3A_103 = arith.constant 0 : i32
        %dma_start3A_104 = tpu.memref_slice %arg2[%dma_start3A, %dma_start3A_103] : memref<1536x128xf32, #tpu.memory_space<hbm>> -> memref<1536x128xf32, #tpu.memory_space<hbm>>
        tpu.enqueue_dma source(%dma_start3A_104 : memref<1536x128xf32, #tpu.memory_space<hbm>>) target(%arg5 : memref<1536x128xf32, #tpu.memory_space<vmem_shared>>) target_semaphore(%run_scoped3A : memref<!tpu.dma_semaphore, #tpu.memory_space<semaphore_mem>>)
        %dma_wait3A_105 = arith.constant 0 : i32
        %dma_wait3A_106 = arith.constant 0 : i32
        %dma_wait3A_107 = tpu.memref_slice %arg2[%dma_wait3A_105, %dma_wait3A_106] : memref<1536x128xf32, #tpu.memory_space<hbm>> -> memref<1536x128xf32, #tpu.memory_space<hbm>>
        tpu.wait_dma2 semaphore(%run_scoped3A : memref<!tpu.dma_semaphore, #tpu.memory_space<semaphore_mem>>) src(%dma_wait3A_107 : memref<1536x128xf32, #tpu.memory_space<hbm>>) dst(%arg5 : memref<1536x128xf32, #tpu.memory_space<vmem_shared>>)
        tpu.yield
      }) : () -> ()
    } else {
    }
    %barrier3A = arith.constant 0 : index
    tpu.barrier barrier_id(%barrier3A)
    "tpu.region"() ({
      %run_scoped3A = tpu.sem_alloc : memref<!tpu.dma_semaphore, #tpu.memory_space<semaphore_mem>>
      %dma_start3A = arith.constant 0 : i32
      %dma_start3A_103 = arith.constant 0 : i32
      %dma_start3A_104 = arith.constant 0 : i32
      %dma_start3A_105 = tpu.memref_slice %arg3[%dma_start3A, %add3A, %dma_start3A_103, %dma_start3A_104] : memref<3x32x64x128xi32, #tpu.memory_space<hbm>> -> memref<3x1x32x128xi32, #tpu.memory_space<hbm>>
      %dma_start3A_106 = tpu.memref_squeeze %dma_start3A_105 : memref<3x1x32x128xi32, #tpu.memory_space<hbm>> -> memref<3x32x128xi32, #tpu.memory_space<hbm>>
      %dma_start3A_107 = arith.constant 0 : i32
      %dma_start3A_108 = arith.constant 0 : i32
      %dma_start3A_109 = arith.constant 0 : i32
      %dma_start3A_110 = tpu.memref_slice %arg3[%dma_start3A_107, %add3A, %dma_start3A_108, %dma_start3A_109] : memref<3x32x64x128xi32, #tpu.memory_space<hbm>> -> memref<3x1x32x128xi32, #tpu.memory_space<hbm>>
      %dma_start3A_111 = tpu.memref_squeeze %dma_start3A_110 : memref<3x1x32x128xi32, #tpu.memory_space<hbm>> -> memref<3x32x128xi32, #tpu.memory_space<hbm>>
      tpu.enqueue_dma source(%dma_start3A_111 : memref<3x32x128xi32, #tpu.memory_space<hbm>>) target(%arg6 : memref<3x32x128xi32, #tpu.memory_space<vmem>>) target_semaphore(%run_scoped3A : memref<!tpu.dma_semaphore, #tpu.memory_space<semaphore_mem>>)
      %dma_wait3A_112 = arith.constant 0 : i32
      %dma_wait3A_113 = arith.constant 0 : i32
      %dma_wait3A_114 = arith.constant 0 : i32
      %dma_wait3A_115 = tpu.memref_slice %arg3[%dma_wait3A_112, %add3A, %dma_wait3A_113, %dma_wait3A_114] : memref<3x32x64x128xi32, #tpu.memory_space<hbm>> -> memref<3x1x32x128xi32, #tpu.memory_space<hbm>>
      %dma_wait3A_116 = tpu.memref_squeeze %dma_wait3A_115 : memref<3x1x32x128xi32, #tpu.memory_space<hbm>> -> memref<3x32x128xi32, #tpu.memory_space<hbm>>
      %dma_wait3A_117 = arith.constant 0 : i32
      %dma_wait3A_118 = arith.constant 0 : i32
      %dma_wait3A_119 = arith.constant 0 : i32
      %dma_wait3A_120 = tpu.memref_slice %arg3[%dma_wait3A_117, %add3A, %dma_wait3A_118, %dma_wait3A_119] : memref<3x32x64x128xi32, #tpu.memory_space<hbm>> -> memref<3x1x32x128xi32, #tpu.memory_space<hbm>>
      %dma_wait3A_121 = tpu.memref_squeeze %dma_wait3A_120 : memref<3x1x32x128xi32, #tpu.memory_space<hbm>> -> memref<3x32x128xi32, #tpu.memory_space<hbm>>
      tpu.wait_dma2 semaphore(%run_scoped3A : memref<!tpu.dma_semaphore, #tpu.memory_space<semaphore_mem>>) src(%dma_wait3A_121 : memref<3x32x128xi32, #tpu.memory_space<hbm>>) dst(%arg6 : memref<3x32x128xi32, #tpu.memory_space<vmem>>)
      tpu.yield
    }) : () -> ()
    %scan3A = arith.constant 0 : i32
    %scan3A_5 = arith.constant 16 : i32
    %scan3A_6 = arith.addi %scan3A, %scan3A_5 : i32
    %scan3A_7 = arith.constant 1 : i32
    scf.for %scan3A_103 = %scan3A to %scan3A_6 step %scan3A_7  : i32 {
      %mul3A_104 = arith.constant 2 : i32
      %mul3A_105 = arith.muli %scan3A_103, %mul3A_104 : i32
      %add3A_106 = arith.constant 0 : i32
      %add3A_107 = arith.addi %add3A_106, %mul3A_105 : i32
      %add3A_108 = arith.constant 0 : i32
      %add3A_109 = arith.addi %add3A_108, %add3A_107 : i32
      %add3A_110 = arith.constant 0 : i32
      %add3A_111 = arith.addi %add3A_109, %add3A_110 : i32
      %ge3A = arith.constant 2 : i32
      %ge3A_112 = arith.cmpi sge, %add3A_111, %ge3A : i32
      %convert_element_type3A_113 = arith.extui %ge3A_112 : i1 to i32
      %cond3A_114 = arith.constant 0 : i32
      %cond3A_115 = arith.cmpi ne, %convert_element_type3A_113, %cond3A_114 : i32
      scf.if %cond3A_115 {
        %add3A_388 = arith.constant 0 : i32
        %add3A_389 = arith.addi %mul3A_2, %add3A_388 : i32
        %dma_wait3A_390 = arith.constant 0 : i32
        %dma_wait3A_391 = arith.constant 0 : i32
        %dma_wait3A_392 = arith.constant 0 : i32
        %dma_wait3A_393 = tpu.memref_slice %arg7[%dma_wait3A_390, %dma_wait3A_391, %dma_wait3A_392] : memref<3x128x128xf32, #tpu.memory_space<vmem>> -> memref<1x128x128xf32, #tpu.memory_space<vmem>>
        %dma_wait3A_394 = tpu.memref_squeeze %dma_wait3A_393 : memref<1x128x128xf32, #tpu.memory_space<vmem>> -> memref<128x128xf32, #tpu.memory_space<vmem>>
        %dma_wait3A_395 = arith.constant 0 : i32
        %dma_wait3A_396 = tpu.memref_slice %arg4[%add3A_389, %dma_wait3A_395] : memref<262144x384xf32, #tpu.memory_space<hbm>> -> memref<128x128xf32, #tpu.memory_space<hbm>>
        %dma_wait3A_397 = arith.constant 0 : i32
        %dma_wait3A_398 = tpu.memref_slice %arg4[%add3A_389, %dma_wait3A_397] : memref<262144x384xf32, #tpu.memory_space<hbm>> -> memref<128x128xf32, #tpu.memory_space<hbm>>
        %dma_wait3A_399 = arith.constant 0 : i32
        %dma_wait3A_400 = arith.constant 0 : i32
        %dma_wait3A_401 = tpu.memref_slice %arg7[%dma_wait3A_390, %dma_wait3A_399, %dma_wait3A_400] : memref<3x128x128xf32, #tpu.memory_space<vmem>> -> memref<1x128x128xf32, #tpu.memory_space<vmem>>
        %dma_wait3A_402 = tpu.memref_squeeze %dma_wait3A_401 : memref<1x128x128xf32, #tpu.memory_space<vmem>> -> memref<128x128xf32, #tpu.memory_space<vmem>>
        tpu.wait_dma2 semaphore(%arg10 : memref<!tpu.dma_semaphore, #tpu.memory_space<semaphore_mem>>) src(%dma_wait3A_402 : memref<128x128xf32, #tpu.memory_space<vmem>>) dst(%dma_wait3A_398 : memref<128x128xf32, #tpu.memory_space<hbm>>)
        %add3A_403 = arith.constant 0 : i32
        %add3A_404 = arith.addi %mul3A_2, %add3A_403 : i32
        %dma_wait3A_405 = arith.constant 1 : i32
        %dma_wait3A_406 = arith.constant 0 : i32
        %dma_wait3A_407 = arith.constant 0 : i32
        %dma_wait3A_408 = tpu.memref_slice %arg7[%dma_wait3A_405, %dma_wait3A_406, %dma_wait3A_407] : memref<3x128x128xf32, #tpu.memory_space<vmem>> -> memref<1x128x128xf32, #tpu.memory_space<vmem>>
        %dma_wait3A_409 = tpu.memref_squeeze %dma_wait3A_408 : memref<1x128x128xf32, #tpu.memory_space<vmem>> -> memref<128x128xf32, #tpu.memory_space<vmem>>
        %dma_wait3A_410 = arith.constant 128 : i32
        %dma_wait3A_411 = tpu.memref_slice %arg4[%add3A_404, %dma_wait3A_410] : memref<262144x384xf32, #tpu.memory_space<hbm>> -> memref<128x128xf32, #tpu.memory_space<hbm>>
        %dma_wait3A_412 = arith.constant 128 : i32
        %dma_wait3A_413 = tpu.memref_slice %arg4[%add3A_404, %dma_wait3A_412] : memref<262144x384xf32, #tpu.memory_space<hbm>> -> memref<128x128xf32, #tpu.memory_space<hbm>>
        %dma_wait3A_414 = arith.constant 0 : i32
        %dma_wait3A_415 = arith.constant 0 : i32
        %dma_wait3A_416 = tpu.memref_slice %arg7[%dma_wait3A_405, %dma_wait3A_414, %dma_wait3A_415] : memref<3x128x128xf32, #tpu.memory_space<vmem>> -> memref<1x128x128xf32, #tpu.memory_space<vmem>>
        %dma_wait3A_417 = tpu.memref_squeeze %dma_wait3A_416 : memref<1x128x128xf32, #tpu.memory_space<vmem>> -> memref<128x128xf32, #tpu.memory_space<vmem>>
        tpu.wait_dma2 semaphore(%arg10 : memref<!tpu.dma_semaphore, #tpu.memory_space<semaphore_mem>>) src(%dma_wait3A_417 : memref<128x128xf32, #tpu.memory_space<vmem>>) dst(%dma_wait3A_413 : memref<128x128xf32, #tpu.memory_space<hbm>>)
        %add3A_418 = arith.constant 0 : i32
        %add3A_419 = arith.addi %mul3A_2, %add3A_418 : i32
        %dma_wait3A_420 = arith.constant 2 : i32
        %dma_wait3A_421 = arith.constant 0 : i32
        %dma_wait3A_422 = arith.constant 0 : i32
        %dma_wait3A_423 = tpu.memref_slice %arg7[%dma_wait3A_420, %dma_wait3A_421, %dma_wait3A_422] : memref<3x128x128xf32, #tpu.memory_space<vmem>> -> memref<1x128x128xf32, #tpu.memory_space<vmem>>
        %dma_wait3A_424 = tpu.memref_squeeze %dma_wait3A_423 : memref<1x128x128xf32, #tpu.memory_space<vmem>> -> memref<128x128xf32, #tpu.memory_space<vmem>>
        %dma_wait3A_425 = arith.constant 256 : i32
        %dma_wait3A_426 = tpu.memref_slice %arg4[%add3A_419, %dma_wait3A_425] : memref<262144x384xf32, #tpu.memory_space<hbm>> -> memref<128x128xf32, #tpu.memory_space<hbm>>
        %dma_wait3A_427 = arith.constant 256 : i32
        %dma_wait3A_428 = tpu.memref_slice %arg4[%add3A_419, %dma_wait3A_427] : memref<262144x384xf32, #tpu.memory_space<hbm>> -> memref<128x128xf32, #tpu.memory_space<hbm>>
        %dma_wait3A_429 = arith.constant 0 : i32
        %dma_wait3A_430 = arith.constant 0 : i32
        %dma_wait3A_431 = tpu.memref_slice %arg7[%dma_wait3A_420, %dma_wait3A_429, %dma_wait3A_430] : memref<3x128x128xf32, #tpu.memory_space<vmem>> -> memref<1x128x128xf32, #tpu.memory_space<vmem>>
        %dma_wait3A_432 = tpu.memref_squeeze %dma_wait3A_431 : memref<1x128x128xf32, #tpu.memory_space<vmem>> -> memref<128x128xf32, #tpu.memory_space<vmem>>
        tpu.wait_dma2 semaphore(%arg10 : memref<!tpu.dma_semaphore, #tpu.memory_space<semaphore_mem>>) src(%dma_wait3A_432 : memref<128x128xf32, #tpu.memory_space<vmem>>) dst(%dma_wait3A_428 : memref<128x128xf32, #tpu.memory_space<hbm>>)
      } else {
      }
      %add3A_116 = arith.constant 0 : i32
      %add3A_117 = arith.addi %add3A_107, %add3A_116 : i32
      %dma_start3A = arith.constant 0 : i32
      %dma_start3A_118 = arith.constant 0 : i32
      %dma_start3A_119 = arith.constant 0 : i32
      %dma_start3A_120 = arith.constant 0 : i32
      %dma_start3A_121 = tpu.memref_slice %arg7[%dma_start3A_118, %dma_start3A_119, %dma_start3A_120] : memref<3x128x128xf32, #tpu.memory_space<vmem>> -> memref<1x128x128xf32, #tpu.memory_space<vmem>>
      %dma_start3A_122 = tpu.memref_squeeze %dma_start3A_121 : memref<1x128x128xf32, #tpu.memory_space<vmem>> -> memref<128x128xf32, #tpu.memory_space<vmem>>
      %dma_start3A_123 = arith.constant 0 : i32
      %dma_start3A_124 = tpu.memref_slice %arg6[%dma_start3A, %add3A_117, %dma_start3A_123] : memref<3x32x128xi32, #tpu.memory_space<vmem>> -> memref<1x1x128xi32, #tpu.memory_space<vmem>>
      %dma_start3A_125 = tpu.memref_squeeze %dma_start3A_124 : memref<1x1x128xi32, #tpu.memory_space<vmem>> -> memref<128xi32, #tpu.memory_space<vmem>>
      %dma_start3A_126 = arith.constant 0 : i32
      %dma_start3A_127 = arith.constant 0 : i32
      %dma_start3A_128 = tpu.memref_slice %arg5[%dma_start3A_126, %dma_start3A_127] : memref<1536x128xf32, #tpu.memory_space<vmem_shared>> -> memref<1536x128xf32, #tpu.memory_space<vmem_shared>>
      tpu.enqueue_indirect_dma source(%dma_start3A_128 : memref<1536x128xf32, #tpu.memory_space<vmem_shared>>) target(%dma_start3A_122 : memref<128x128xf32, #tpu.memory_space<vmem>>) offsets(%dma_start3A_125 : memref<128xi32, #tpu.memory_space<vmem>>) semaphore(%arg9 : memref<!tpu.dma_semaphore, #tpu.memory_space<semaphore_mem>>)
      %add3A_129 = arith.constant 0 : i32
      %add3A_130 = arith.addi %add3A_107, %add3A_129 : i32
      %dma_start3A_131 = arith.constant 1 : i32
      %dma_start3A_132 = arith.constant 1 : i32
      %dma_start3A_133 = arith.constant 0 : i32
      %dma_start3A_134 = arith.constant 0 : i32
      %dma_start3A_135 = tpu.memref_slice %arg7[%dma_start3A_132, %dma_start3A_133, %dma_start3A_134] : memref<3x128x128xf32, #tpu.memory_space<vmem>> -> memref<1x128x128xf32, #tpu.memory_space<vmem>>
      %dma_start3A_136 = tpu.memref_squeeze %dma_start3A_135 : memref<1x128x128xf32, #tpu.memory_space<vmem>> -> memref<128x128xf32, #tpu.memory_space<vmem>>
      %dma_start3A_137 = arith.constant 0 : i32
      %dma_start3A_138 = tpu.memref_slice %arg6[%dma_start3A_131, %add3A_130, %dma_start3A_137] : memref<3x32x128xi32, #tpu.memory_space<vmem>> -> memref<1x1x128xi32, #tpu.memory_space<vmem>>
      %dma_start3A_139 = tpu.memref_squeeze %dma_start3A_138 : memref<1x1x128xi32, #tpu.memory_space<vmem>> -> memref<128xi32, #tpu.memory_space<vmem>>
      %dma_start3A_140 = arith.constant 0 : i32
      %dma_start3A_141 = arith.constant 0 : i32
      %dma_start3A_142 = tpu.memref_slice %arg5[%dma_start3A_140, %dma_start3A_141] : memref<1536x128xf32, #tpu.memory_space<vmem_shared>> -> memref<1536x128xf32, #tpu.memory_space<vmem_shared>>
      tpu.enqueue_indirect_dma source(%dma_start3A_142 : memref<1536x128xf32, #tpu.memory_space<vmem_shared>>) target(%dma_start3A_136 : memref<128x128xf32, #tpu.memory_space<vmem>>) offsets(%dma_start3A_139 : memref<128xi32, #tpu.memory_space<vmem>>) semaphore(%arg9 : memref<!tpu.dma_semaphore, #tpu.memory_space<semaphore_mem>>)
      %add3A_143 = arith.constant 0 : i32
      %add3A_144 = arith.addi %add3A_107, %add3A_143 : i32
      %dma_start3A_145 = arith.constant 2 : i32
      %dma_start3A_146 = arith.constant 2 : i32
      %dma_start3A_147 = arith.constant 0 : i32
      %dma_start3A_148 = arith.constant 0 : i32
      %dma_start3A_149 = tpu.memref_slice %arg7[%dma_start3A_146, %dma_start3A_147, %dma_start3A_148] : memref<3x128x128xf32, #tpu.memory_space<vmem>> -> memref<1x128x128xf32, #tpu.memory_space<vmem>>
      %dma_start3A_150 = tpu.memref_squeeze %dma_start3A_149 : memref<1x128x128xf32, #tpu.memory_space<vmem>> -> memref<128x128xf32, #tpu.memory_space<vmem>>
      %dma_start3A_151 = arith.constant 0 : i32
      %dma_start3A_152 = tpu.memref_slice %arg6[%dma_start3A_145, %add3A_144, %dma_start3A_151] : memref<3x32x128xi32, #tpu.memory_space<vmem>> -> memref<1x1x128xi32, #tpu.memory_space<vmem>>
      %dma_start3A_153 = tpu.memref_squeeze %dma_start3A_152 : memref<1x1x128xi32, #tpu.memory_space<vmem>> -> memref<128xi32, #tpu.memory_space<vmem>>
      %dma_start3A_154 = arith.constant 0 : i32
      %dma_start3A_155 = arith.constant 0 : i32
      %dma_start3A_156 = tpu.memref_slice %arg5[%dma_start3A_154, %dma_start3A_155] : memref<1536x128xf32, #tpu.memory_space<vmem_shared>> -> memref<1536x128xf32, #tpu.memory_space<vmem_shared>>
      tpu.enqueue_indirect_dma source(%dma_start3A_156 : memref<1536x128xf32, #tpu.memory_space<vmem_shared>>) target(%dma_start3A_150 : memref<128x128xf32, #tpu.memory_space<vmem>>) offsets(%dma_start3A_153 : memref<128xi32, #tpu.memory_space<vmem>>) semaphore(%arg9 : memref<!tpu.dma_semaphore, #tpu.memory_space<semaphore_mem>>)
      %add3A_157 = arith.constant 0 : i32
      %add3A_158 = arith.addi %add3A_107, %add3A_157 : i32
      %dma_wait3A_159 = arith.constant 0 : i32
      %dma_wait3A_160 = arith.constant 0 : i32
      %dma_wait3A_161 = arith.constant 0 : i32
      %dma_wait3A_162 = arith.constant 0 : i32
      %dma_wait3A_163 = tpu.memref_slice %arg7[%dma_wait3A_160, %dma_wait3A_161, %dma_wait3A_162] : memref<3x128x128xf32, #tpu.memory_space<vmem>> -> memref<1x128x128xf32, #tpu.memory_space<vmem>>
      %dma_wait3A_164 = tpu.memref_squeeze %dma_wait3A_163 : memref<1x128x128xf32, #tpu.memory_space<vmem>> -> memref<128x128xf32, #tpu.memory_space<vmem>>
      %dma_wait3A_165 = arith.constant 0 : i32
      %dma_wait3A_166 = tpu.memref_slice %arg6[%dma_wait3A_159, %add3A_158, %dma_wait3A_165] : memref<3x32x128xi32, #tpu.memory_space<vmem>> -> memref<1x1x128xi32, #tpu.memory_space<vmem>>
      %dma_wait3A_167 = tpu.memref_squeeze %dma_wait3A_166 : memref<1x1x128xi32, #tpu.memory_space<vmem>> -> memref<128xi32, #tpu.memory_space<vmem>>
      %dma_wait3A_168 = arith.constant 0 : i32
      %dma_wait3A_169 = arith.constant 0 : i32
      %dma_wait3A_170 = tpu.memref_slice %arg5[%dma_wait3A_168, %dma_wait3A_169] : memref<1536x128xf32, #tpu.memory_space<vmem_shared>> -> memref<1536x128xf32, #tpu.memory_space<vmem_shared>>
      tpu.wait_indirect_dma semaphore(%arg9 : memref<!tpu.dma_semaphore, #tpu.memory_space<semaphore_mem>>) src(%dma_wait3A_170 : memref<1536x128xf32, #tpu.memory_space<vmem_shared>>) dst(%dma_wait3A_164 : memref<128x128xf32, #tpu.memory_space<vmem>>)
      %add3A_171 = arith.constant 0 : i32
      %add3A_172 = arith.addi %add3A_107, %add3A_171 : i32
      %dma_wait3A_173 = arith.constant 1 : i32
      %dma_wait3A_174 = arith.constant 1 : i32
      %dma_wait3A_175 = arith.constant 0 : i32
      %dma_wait3A_176 = arith.constant 0 : i32
      %dma_wait3A_177 = tpu.memref_slice %arg7[%dma_wait3A_174, %dma_wait3A_175, %dma_wait3A_176] : memref<3x128x128xf32, #tpu.memory_space<vmem>> -> memref<1x128x128xf32, #tpu.memory_space<vmem>>
      %dma_wait3A_178 = tpu.memref_squeeze %dma_wait3A_177 : memref<1x128x128xf32, #tpu.memory_space<vmem>> -> memref<128x128xf32, #tpu.memory_space<vmem>>
      %dma_wait3A_179 = arith.constant 0 : i32
      %dma_wait3A_180 = tpu.memref_slice %arg6[%dma_wait3A_173, %add3A_172, %dma_wait3A_179] : memref<3x32x128xi32, #tpu.memory_space<vmem>> -> memref<1x1x128xi32, #tpu.memory_space<vmem>>
      %dma_wait3A_181 = tpu.memref_squeeze %dma_wait3A_180 : memref<1x1x128xi32, #tpu.memory_space<vmem>> -> memref<128xi32, #tpu.memory_space<vmem>>
      %dma_wait3A_182 = arith.constant 0 : i32
      %dma_wait3A_183 = arith.constant 0 : i32
      %dma_wait3A_184 = tpu.memref_slice %arg5[%dma_wait3A_182, %dma_wait3A_183] : memref<1536x128xf32, #tpu.memory_space<vmem_shared>> -> memref<1536x128xf32, #tpu.memory_space<vmem_shared>>
      tpu.wait_indirect_dma semaphore(%arg9 : memref<!tpu.dma_semaphore, #tpu.memory_space<semaphore_mem>>) src(%dma_wait3A_184 : memref<1536x128xf32, #tpu.memory_space<vmem_shared>>) dst(%dma_wait3A_178 : memref<128x128xf32, #tpu.memory_space<vmem>>)
      %add3A_185 = arith.constant 0 : i32
      %add3A_186 = arith.addi %add3A_107, %add3A_185 : i32
      %dma_wait3A_187 = arith.constant 2 : i32
      %dma_wait3A_188 = arith.constant 2 : i32
      %dma_wait3A_189 = arith.constant 0 : i32
      %dma_wait3A_190 = arith.constant 0 : i32
      %dma_wait3A_191 = tpu.memref_slice %arg7[%dma_wait3A_188, %dma_wait3A_189, %dma_wait3A_190] : memref<3x128x128xf32, #tpu.memory_space<vmem>> -> memref<1x128x128xf32, #tpu.memory_space<vmem>>
      %dma_wait3A_192 = tpu.memref_squeeze %dma_wait3A_191 : memref<1x128x128xf32, #tpu.memory_space<vmem>> -> memref<128x128xf32, #tpu.memory_space<vmem>>
      %dma_wait3A_193 = arith.constant 0 : i32
      %dma_wait3A_194 = tpu.memref_slice %arg6[%dma_wait3A_187, %add3A_186, %dma_wait3A_193] : memref<3x32x128xi32, #tpu.memory_space<vmem>> -> memref<1x1x128xi32, #tpu.memory_space<vmem>>
      %dma_wait3A_195 = tpu.memref_squeeze %dma_wait3A_194 : memref<1x1x128xi32, #tpu.memory_space<vmem>> -> memref<128xi32, #tpu.memory_space<vmem>>
      %dma_wait3A_196 = arith.constant 0 : i32
      %dma_wait3A_197 = arith.constant 0 : i32
      %dma_wait3A_198 = tpu.memref_slice %arg5[%dma_wait3A_196, %dma_wait3A_197] : memref<1536x128xf32, #tpu.memory_space<vmem_shared>> -> memref<1536x128xf32, #tpu.memory_space<vmem_shared>>
      tpu.wait_indirect_dma semaphore(%arg9 : memref<!tpu.dma_semaphore, #tpu.memory_space<semaphore_mem>>) src(%dma_wait3A_198 : memref<1536x128xf32, #tpu.memory_space<vmem_shared>>) dst(%dma_wait3A_192 : memref<128x128xf32, #tpu.memory_space<vmem>>)
      %mul3A_199 = arith.constant 128 : i32
      %mul3A_200 = arith.muli %add3A_111, %mul3A_199 : i32
      %add3A_201 = arith.addi %mul3A_2, %mul3A_200 : i32
      %dma_start3A_202 = arith.constant 0 : i32
      %dma_start3A_203 = arith.constant 0 : i32
      %dma_start3A_204 = arith.constant 0 : i32
      %dma_start3A_205 = tpu.memref_slice %arg7[%dma_start3A_202, %dma_start3A_203, %dma_start3A_204] : memref<3x128x128xf32, #tpu.memory_space<vmem>> -> memref<1x128x128xf32, #tpu.memory_space<vmem>>
      %dma_start3A_206 = tpu.memref_squeeze %dma_start3A_205 : memref<1x128x128xf32, #tpu.memory_space<vmem>> -> memref<128x128xf32, #tpu.memory_space<vmem>>
      %dma_start3A_207 = arith.constant 0 : i32
      %dma_start3A_208 = tpu.memref_slice %arg4[%add3A_201, %dma_start3A_207] : memref<262144x384xf32, #tpu.memory_space<hbm>> -> memref<128x128xf32, #tpu.memory_space<hbm>>
      %dma_start3A_209 = arith.constant 0 : i32
      %dma_start3A_210 = tpu.memref_slice %arg4[%add3A_201, %dma_start3A_209] : memref<262144x384xf32, #tpu.memory_space<hbm>> -> memref<128x128xf32, #tpu.memory_space<hbm>>
      %dma_start3A_211 = arith.constant 0 : i32
      %dma_start3A_212 = arith.constant 0 : i32
      %dma_start3A_213 = tpu.memref_slice %arg7[%dma_start3A_202, %dma_start3A_211, %dma_start3A_212] : memref<3x128x128xf32, #tpu.memory_space<vmem>> -> memref<1x128x128xf32, #tpu.memory_space<vmem>>
      %dma_start3A_214 = tpu.memref_squeeze %dma_start3A_213 : memref<1x128x128xf32, #tpu.memory_space<vmem>> -> memref<128x128xf32, #tpu.memory_space<vmem>>
      tpu.enqueue_dma source(%dma_start3A_214 : memref<128x128xf32, #tpu.memory_space<vmem>>) target(%dma_start3A_210 : memref<128x128xf32, #tpu.memory_space<hbm>>) target_semaphore(%arg10 : memref<!tpu.dma_semaphore, #tpu.memory_space<semaphore_mem>>)
      %mul3A_215 = arith.constant 128 : i32
      %mul3A_216 = arith.muli %add3A_111, %mul3A_215 : i32
      %add3A_217 = arith.addi %mul3A_2, %mul3A_216 : i32
      %dma_start3A_218 = arith.constant 1 : i32
      %dma_start3A_219 = arith.constant 0 : i32
      %dma_start3A_220 = arith.constant 0 : i32
      %dma_start3A_221 = tpu.memref_slice %arg7[%dma_start3A_218, %dma_start3A_219, %dma_start3A_220] : memref<3x128x128xf32, #tpu.memory_space<vmem>> -> memref<1x128x128xf32, #tpu.memory_space<vmem>>
      %dma_start3A_222 = tpu.memref_squeeze %dma_start3A_221 : memref<1x128x128xf32, #tpu.memory_space<vmem>> -> memref<128x128xf32, #tpu.memory_space<vmem>>
      %dma_start3A_223 = arith.constant 128 : i32
      %dma_start3A_224 = tpu.memref_slice %arg4[%add3A_217, %dma_start3A_223] : memref<262144x384xf32, #tpu.memory_space<hbm>> -> memref<128x128xf32, #tpu.memory_space<hbm>>
      %dma_start3A_225 = arith.constant 128 : i32
      %dma_start3A_226 = tpu.memref_slice %arg4[%add3A_217, %dma_start3A_225] : memref<262144x384xf32, #tpu.memory_space<hbm>> -> memref<128x128xf32, #tpu.memory_space<hbm>>
      %dma_start3A_227 = arith.constant 0 : i32
      %dma_start3A_228 = arith.constant 0 : i32
      %dma_start3A_229 = tpu.memref_slice %arg7[%dma_start3A_218, %dma_start3A_227, %dma_start3A_228] : memref<3x128x128xf32, #tpu.memory_space<vmem>> -> memref<1x128x128xf32, #tpu.memory_space<vmem>>
      %dma_start3A_230 = tpu.memref_squeeze %dma_start3A_229 : memref<1x128x128xf32, #tpu.memory_space<vmem>> -> memref<128x128xf32, #tpu.memory_space<vmem>>
      tpu.enqueue_dma source(%dma_start3A_230 : memref<128x128xf32, #tpu.memory_space<vmem>>) target(%dma_start3A_226 : memref<128x128xf32, #tpu.memory_space<hbm>>) target_semaphore(%arg10 : memref<!tpu.dma_semaphore, #tpu.memory_space<semaphore_mem>>)
      %mul3A_231 = arith.constant 128 : i32
      %mul3A_232 = arith.muli %add3A_111, %mul3A_231 : i32
      %add3A_233 = arith.addi %mul3A_2, %mul3A_232 : i32
      %dma_start3A_234 = arith.constant 2 : i32
      %dma_start3A_235 = arith.constant 0 : i32
      %dma_start3A_236 = arith.constant 0 : i32
      %dma_start3A_237 = tpu.memref_slice %arg7[%dma_start3A_234, %dma_start3A_235, %dma_start3A_236] : memref<3x128x128xf32, #tpu.memory_space<vmem>> -> memref<1x128x128xf32, #tpu.memory_space<vmem>>
      %dma_start3A_238 = tpu.memref_squeeze %dma_start3A_237 : memref<1x128x128xf32, #tpu.memory_space<vmem>> -> memref<128x128xf32, #tpu.memory_space<vmem>>
      %dma_start3A_239 = arith.constant 256 : i32
      %dma_start3A_240 = tpu.memref_slice %arg4[%add3A_233, %dma_start3A_239] : memref<262144x384xf32, #tpu.memory_space<hbm>> -> memref<128x128xf32, #tpu.memory_space<hbm>>
      %dma_start3A_241 = arith.constant 256 : i32
      %dma_start3A_242 = tpu.memref_slice %arg4[%add3A_233, %dma_start3A_241] : memref<262144x384xf32, #tpu.memory_space<hbm>> -> memref<128x128xf32, #tpu.memory_space<hbm>>
      %dma_start3A_243 = arith.constant 0 : i32
      %dma_start3A_244 = arith.constant 0 : i32
      %dma_start3A_245 = tpu.memref_slice %arg7[%dma_start3A_234, %dma_start3A_243, %dma_start3A_244] : memref<3x128x128xf32, #tpu.memory_space<vmem>> -> memref<1x128x128xf32, #tpu.memory_space<vmem>>
      %dma_start3A_246 = tpu.memref_squeeze %dma_start3A_245 : memref<1x128x128xf32, #tpu.memory_space<vmem>> -> memref<128x128xf32, #tpu.memory_space<vmem>>
      tpu.enqueue_dma source(%dma_start3A_246 : memref<128x128xf32, #tpu.memory_space<vmem>>) target(%dma_start3A_242 : memref<128x128xf32, #tpu.memory_space<hbm>>) target_semaphore(%arg10 : memref<!tpu.dma_semaphore, #tpu.memory_space<semaphore_mem>>)
      %add3A_247 = arith.constant 0 : i32
      %add3A_248 = arith.addi %add3A_247, %add3A_107 : i32
      %add3A_249 = arith.constant 1 : i32
      %add3A_250 = arith.addi %add3A_248, %add3A_249 : i32
      %ge3A_251 = arith.constant 2 : i32
      %ge3A_252 = arith.cmpi sge, %add3A_250, %ge3A_251 : i32
      %convert_element_type3A_253 = arith.extui %ge3A_252 : i1 to i32
      %cond3A_254 = arith.constant 0 : i32
      %cond3A_255 = arith.cmpi ne, %convert_element_type3A_253, %cond3A_254 : i32
      scf.if %cond3A_255 {
        %add3A_388 = arith.constant 0 : i32
        %add3A_389 = arith.addi %mul3A_2, %add3A_388 : i32
        %dma_wait3A_390 = arith.constant 0 : i32
        %dma_wait3A_391 = arith.constant 0 : i32
        %dma_wait3A_392 = arith.constant 0 : i32
        %dma_wait3A_393 = tpu.memref_slice %arg8[%dma_wait3A_390, %dma_wait3A_391, %dma_wait3A_392] : memref<3x128x128xf32, #tpu.memory_space<vmem>> -> memref<1x128x128xf32, #tpu.memory_space<vmem>>
        %dma_wait3A_394 = tpu.memref_squeeze %dma_wait3A_393 : memref<1x128x128xf32, #tpu.memory_space<vmem>> -> memref<128x128xf32, #tpu.memory_space<vmem>>
        %dma_wait3A_395 = arith.constant 0 : i32
        %dma_wait3A_396 = tpu.memref_slice %arg4[%add3A_389, %dma_wait3A_395] : memref<262144x384xf32, #tpu.memory_space<hbm>> -> memref<128x128xf32, #tpu.memory_space<hbm>>
        %dma_wait3A_397 = arith.constant 0 : i32
        %dma_wait3A_398 = tpu.memref_slice %arg4[%add3A_389, %dma_wait3A_397] : memref<262144x384xf32, #tpu.memory_space<hbm>> -> memref<128x128xf32, #tpu.memory_space<hbm>>
        %dma_wait3A_399 = arith.constant 0 : i32
        %dma_wait3A_400 = arith.constant 0 : i32
        %dma_wait3A_401 = tpu.memref_slice %arg8[%dma_wait3A_390, %dma_wait3A_399, %dma_wait3A_400] : memref<3x128x128xf32, #tpu.memory_space<vmem>> -> memref<1x128x128xf32, #tpu.memory_space<vmem>>
        %dma_wait3A_402 = tpu.memref_squeeze %dma_wait3A_401 : memref<1x128x128xf32, #tpu.memory_space<vmem>> -> memref<128x128xf32, #tpu.memory_space<vmem>>
        tpu.wait_dma2 semaphore(%arg11 : memref<!tpu.dma_semaphore, #tpu.memory_space<semaphore_mem>>) src(%dma_wait3A_402 : memref<128x128xf32, #tpu.memory_space<vmem>>) dst(%dma_wait3A_398 : memref<128x128xf32, #tpu.memory_space<hbm>>)
        %add3A_403 = arith.constant 0 : i32
        %add3A_404 = arith.addi %mul3A_2, %add3A_403 : i32
        %dma_wait3A_405 = arith.constant 1 : i32
        %dma_wait3A_406 = arith.constant 0 : i32
        %dma_wait3A_407 = arith.constant 0 : i32
        %dma_wait3A_408 = tpu.memref_slice %arg8[%dma_wait3A_405, %dma_wait3A_406, %dma_wait3A_407] : memref<3x128x128xf32, #tpu.memory_space<vmem>> -> memref<1x128x128xf32, #tpu.memory_space<vmem>>
        %dma_wait3A_409 = tpu.memref_squeeze %dma_wait3A_408 : memref<1x128x128xf32, #tpu.memory_space<vmem>> -> memref<128x128xf32, #tpu.memory_space<vmem>>
        %dma_wait3A_410 = arith.constant 128 : i32
        %dma_wait3A_411 = tpu.memref_slice %arg4[%add3A_404, %dma_wait3A_410] : memref<262144x384xf32, #tpu.memory_space<hbm>> -> memref<128x128xf32, #tpu.memory_space<hbm>>
        %dma_wait3A_412 = arith.constant 128 : i32
        %dma_wait3A_413 = tpu.memref_slice %arg4[%add3A_404, %dma_wait3A_412] : memref<262144x384xf32, #tpu.memory_space<hbm>> -> memref<128x128xf32, #tpu.memory_space<hbm>>
        %dma_wait3A_414 = arith.constant 0 : i32
        %dma_wait3A_415 = arith.constant 0 : i32
        %dma_wait3A_416 = tpu.memref_slice %arg8[%dma_wait3A_405, %dma_wait3A_414, %dma_wait3A_415] : memref<3x128x128xf32, #tpu.memory_space<vmem>> -> memref<1x128x128xf32, #tpu.memory_space<vmem>>
        %dma_wait3A_417 = tpu.memref_squeeze %dma_wait3A_416 : memref<1x128x128xf32, #tpu.memory_space<vmem>> -> memref<128x128xf32, #tpu.memory_space<vmem>>
        tpu.wait_dma2 semaphore(%arg11 : memref<!tpu.dma_semaphore, #tpu.memory_space<semaphore_mem>>) src(%dma_wait3A_417 : memref<128x128xf32, #tpu.memory_space<vmem>>) dst(%dma_wait3A_413 : memref<128x128xf32, #tpu.memory_space<hbm>>)
        %add3A_418 = arith.constant 0 : i32
        %add3A_419 = arith.addi %mul3A_2, %add3A_418 : i32
        %dma_wait3A_420 = arith.constant 2 : i32
        %dma_wait3A_421 = arith.constant 0 : i32
        %dma_wait3A_422 = arith.constant 0 : i32
        %dma_wait3A_423 = tpu.memref_slice %arg8[%dma_wait3A_420, %dma_wait3A_421, %dma_wait3A_422] : memref<3x128x128xf32, #tpu.memory_space<vmem>> -> memref<1x128x128xf32, #tpu.memory_space<vmem>>
        %dma_wait3A_424 = tpu.memref_squeeze %dma_wait3A_423 : memref<1x128x128xf32, #tpu.memory_space<vmem>> -> memref<128x128xf32, #tpu.memory_space<vmem>>
        %dma_wait3A_425 = arith.constant 256 : i32
        %dma_wait3A_426 = tpu.memref_slice %arg4[%add3A_419, %dma_wait3A_425] : memref<262144x384xf32, #tpu.memory_space<hbm>> -> memref<128x128xf32, #tpu.memory_space<hbm>>
        %dma_wait3A_427 = arith.constant 256 : i32
        %dma_wait3A_428 = tpu.memref_slice %arg4[%add3A_419, %dma_wait3A_427] : memref<262144x384xf32, #tpu.memory_space<hbm>> -> memref<128x128xf32, #tpu.memory_space<hbm>>
        %dma_wait3A_429 = arith.constant 0 : i32
        %dma_wait3A_430 = arith.constant 0 : i32
        %dma_wait3A_431 = tpu.memref_slice %arg8[%dma_wait3A_420, %dma_wait3A_429, %dma_wait3A_430] : memref<3x128x128xf32, #tpu.memory_space<vmem>> -> memref<1x128x128xf32, #tpu.memory_space<vmem>>
        %dma_wait3A_432 = tpu.memref_squeeze %dma_wait3A_431 : memref<1x128x128xf32, #tpu.memory_space<vmem>> -> memref<128x128xf32, #tpu.memory_space<vmem>>
        tpu.wait_dma2 semaphore(%arg11 : memref<!tpu.dma_semaphore, #tpu.memory_space<semaphore_mem>>) src(%dma_wait3A_432 : memref<128x128xf32, #tpu.memory_space<vmem>>) dst(%dma_wait3A_428 : memref<128x128xf32, #tpu.memory_space<hbm>>)
      } else {
      }
      %add3A_256 = arith.constant 1 : i32
      %add3A_257 = arith.addi %add3A_107, %add3A_256 : i32
      %dma_start3A_258 = arith.constant 0 : i32
      %dma_start3A_259 = arith.constant 0 : i32
      %dma_start3A_260 = arith.constant 0 : i32
      %dma_start3A_261 = arith.constant 0 : i32
      %dma_start3A_262 = tpu.memref_slice %arg8[%dma_start3A_259, %dma_start3A_260, %dma_start3A_261] : memref<3x128x128xf32, #tpu.memory_space<vmem>> -> memref<1x128x128xf32, #tpu.memory_space<vmem>>
      %dma_start3A_263 = tpu.memref_squeeze %dma_start3A_262 : memref<1x128x128xf32, #tpu.memory_space<vmem>> -> memref<128x128xf32, #tpu.memory_space<vmem>>
      %dma_start3A_264 = arith.constant 0 : i32
      %dma_start3A_265 = tpu.memref_slice %arg6[%dma_start3A_258, %add3A_257, %dma_start3A_264] : memref<3x32x128xi32, #tpu.memory_space<vmem>> -> memref<1x1x128xi32, #tpu.memory_space<vmem>>
      %dma_start3A_266 = tpu.memref_squeeze %dma_start3A_265 : memref<1x1x128xi32, #tpu.memory_space<vmem>> -> memref<128xi32, #tpu.memory_space<vmem>>
      %dma_start3A_267 = arith.constant 0 : i32
      %dma_start3A_268 = arith.constant 0 : i32
      %dma_start3A_269 = tpu.memref_slice %arg5[%dma_start3A_267, %dma_start3A_268] : memref<1536x128xf32, #tpu.memory_space<vmem_shared>> -> memref<1536x128xf32, #tpu.memory_space<vmem_shared>>
      tpu.enqueue_indirect_dma source(%dma_start3A_269 : memref<1536x128xf32, #tpu.memory_space<vmem_shared>>) target(%dma_start3A_263 : memref<128x128xf32, #tpu.memory_space<vmem>>) offsets(%dma_start3A_266 : memref<128xi32, #tpu.memory_space<vmem>>) semaphore(%arg9 : memref<!tpu.dma_semaphore, #tpu.memory_space<semaphore_mem>>)
      %add3A_270 = arith.constant 1 : i32
      %add3A_271 = arith.addi %add3A_107, %add3A_270 : i32
      %dma_start3A_272 = arith.constant 1 : i32
      %dma_start3A_273 = arith.constant 1 : i32
      %dma_start3A_274 = arith.constant 0 : i32
      %dma_start3A_275 = arith.constant 0 : i32
      %dma_start3A_276 = tpu.memref_slice %arg8[%dma_start3A_273, %dma_start3A_274, %dma_start3A_275] : memref<3x128x128xf32, #tpu.memory_space<vmem>> -> memref<1x128x128xf32, #tpu.memory_space<vmem>>
      %dma_start3A_277 = tpu.memref_squeeze %dma_start3A_276 : memref<1x128x128xf32, #tpu.memory_space<vmem>> -> memref<128x128xf32, #tpu.memory_space<vmem>>
      %dma_start3A_278 = arith.constant 0 : i32
      %dma_start3A_279 = tpu.memref_slice %arg6[%dma_start3A_272, %add3A_271, %dma_start3A_278] : memref<3x32x128xi32, #tpu.memory_space<vmem>> -> memref<1x1x128xi32, #tpu.memory_space<vmem>>
      %dma_start3A_280 = tpu.memref_squeeze %dma_start3A_279 : memref<1x1x128xi32, #tpu.memory_space<vmem>> -> memref<128xi32, #tpu.memory_space<vmem>>
      %dma_start3A_281 = arith.constant 0 : i32
      %dma_start3A_282 = arith.constant 0 : i32
      %dma_start3A_283 = tpu.memref_slice %arg5[%dma_start3A_281, %dma_start3A_282] : memref<1536x128xf32, #tpu.memory_space<vmem_shared>> -> memref<1536x128xf32, #tpu.memory_space<vmem_shared>>
      tpu.enqueue_indirect_dma source(%dma_start3A_283 : memref<1536x128xf32, #tpu.memory_space<vmem_shared>>) target(%dma_start3A_277 : memref<128x128xf32, #tpu.memory_space<vmem>>) offsets(%dma_start3A_280 : memref<128xi32, #tpu.memory_space<vmem>>) semaphore(%arg9 : memref<!tpu.dma_semaphore, #tpu.memory_space<semaphore_mem>>)
      %add3A_284 = arith.constant 1 : i32
      %add3A_285 = arith.addi %add3A_107, %add3A_284 : i32
      %dma_start3A_286 = arith.constant 2 : i32
      %dma_start3A_287 = arith.constant 2 : i32
      %dma_start3A_288 = arith.constant 0 : i32
      %dma_start3A_289 = arith.constant 0 : i32
      %dma_start3A_290 = tpu.memref_slice %arg8[%dma_start3A_287, %dma_start3A_288, %dma_start3A_289] : memref<3x128x128xf32, #tpu.memory_space<vmem>> -> memref<1x128x128xf32, #tpu.memory_space<vmem>>
      %dma_start3A_291 = tpu.memref_squeeze %dma_start3A_290 : memref<1x128x128xf32, #tpu.memory_space<vmem>> -> memref<128x128xf32, #tpu.memory_space<vmem>>
      %dma_start3A_292 = arith.constant 0 : i32
      %dma_start3A_293 = tpu.memref_slice %arg6[%dma_start3A_286, %add3A_285, %dma_start3A_292] : memref<3x32x128xi32, #tpu.memory_space<vmem>> -> memref<1x1x128xi32, #tpu.memory_space<vmem>>
      %dma_start3A_294 = tpu.memref_squeeze %dma_start3A_293 : memref<1x1x128xi32, #tpu.memory_space<vmem>> -> memref<128xi32, #tpu.memory_space<vmem>>
      %dma_start3A_295 = arith.constant 0 : i32
      %dma_start3A_296 = arith.constant 0 : i32
      %dma_start3A_297 = tpu.memref_slice %arg5[%dma_start3A_295, %dma_start3A_296] : memref<1536x128xf32, #tpu.memory_space<vmem_shared>> -> memref<1536x128xf32, #tpu.memory_space<vmem_shared>>
      tpu.enqueue_indirect_dma source(%dma_start3A_297 : memref<1536x128xf32, #tpu.memory_space<vmem_shared>>) target(%dma_start3A_291 : memref<128x128xf32, #tpu.memory_space<vmem>>) offsets(%dma_start3A_294 : memref<128xi32, #tpu.memory_space<vmem>>) semaphore(%arg9 : memref<!tpu.dma_semaphore, #tpu.memory_space<semaphore_mem>>)
      %add3A_298 = arith.constant 1 : i32
      %add3A_299 = arith.addi %add3A_107, %add3A_298 : i32
      %dma_wait3A_300 = arith.constant 0 : i32
      %dma_wait3A_301 = arith.constant 0 : i32
      %dma_wait3A_302 = arith.constant 0 : i32
      %dma_wait3A_303 = arith.constant 0 : i32
      %dma_wait3A_304 = tpu.memref_slice %arg8[%dma_wait3A_301, %dma_wait3A_302, %dma_wait3A_303] : memref<3x128x128xf32, #tpu.memory_space<vmem>> -> memref<1x128x128xf32, #tpu.memory_space<vmem>>
      %dma_wait3A_305 = tpu.memref_squeeze %dma_wait3A_304 : memref<1x128x128xf32, #tpu.memory_space<vmem>> -> memref<128x128xf32, #tpu.memory_space<vmem>>
      %dma_wait3A_306 = arith.constant 0 : i32
      %dma_wait3A_307 = tpu.memref_slice %arg6[%dma_wait3A_300, %add3A_299, %dma_wait3A_306] : memref<3x32x128xi32, #tpu.memory_space<vmem>> -> memref<1x1x128xi32, #tpu.memory_space<vmem>>
      %dma_wait3A_308 = tpu.memref_squeeze %dma_wait3A_307 : memref<1x1x128xi32, #tpu.memory_space<vmem>> -> memref<128xi32, #tpu.memory_space<vmem>>
      %dma_wait3A_309 = arith.constant 0 : i32
      %dma_wait3A_310 = arith.constant 0 : i32
      %dma_wait3A_311 = tpu.memref_slice %arg5[%dma_wait3A_309, %dma_wait3A_310] : memref<1536x128xf32, #tpu.memory_space<vmem_shared>> -> memref<1536x128xf32, #tpu.memory_space<vmem_shared>>
      tpu.wait_indirect_dma semaphore(%arg9 : memref<!tpu.dma_semaphore, #tpu.memory_space<semaphore_mem>>) src(%dma_wait3A_311 : memref<1536x128xf32, #tpu.memory_space<vmem_shared>>) dst(%dma_wait3A_305 : memref<128x128xf32, #tpu.memory_space<vmem>>)
      %add3A_312 = arith.constant 1 : i32
      %add3A_313 = arith.addi %add3A_107, %add3A_312 : i32
      %dma_wait3A_314 = arith.constant 1 : i32
      %dma_wait3A_315 = arith.constant 1 : i32
      %dma_wait3A_316 = arith.constant 0 : i32
      %dma_wait3A_317 = arith.constant 0 : i32
      %dma_wait3A_318 = tpu.memref_slice %arg8[%dma_wait3A_315, %dma_wait3A_316, %dma_wait3A_317] : memref<3x128x128xf32, #tpu.memory_space<vmem>> -> memref<1x128x128xf32, #tpu.memory_space<vmem>>
      %dma_wait3A_319 = tpu.memref_squeeze %dma_wait3A_318 : memref<1x128x128xf32, #tpu.memory_space<vmem>> -> memref<128x128xf32, #tpu.memory_space<vmem>>
      %dma_wait3A_320 = arith.constant 0 : i32
      %dma_wait3A_321 = tpu.memref_slice %arg6[%dma_wait3A_314, %add3A_313, %dma_wait3A_320] : memref<3x32x128xi32, #tpu.memory_space<vmem>> -> memref<1x1x128xi32, #tpu.memory_space<vmem>>
      %dma_wait3A_322 = tpu.memref_squeeze %dma_wait3A_321 : memref<1x1x128xi32, #tpu.memory_space<vmem>> -> memref<128xi32, #tpu.memory_space<vmem>>
      %dma_wait3A_323 = arith.constant 0 : i32
      %dma_wait3A_324 = arith.constant 0 : i32
      %dma_wait3A_325 = tpu.memref_slice %arg5[%dma_wait3A_323, %dma_wait3A_324] : memref<1536x128xf32, #tpu.memory_space<vmem_shared>> -> memref<1536x128xf32, #tpu.memory_space<vmem_shared>>
      tpu.wait_indirect_dma semaphore(%arg9 : memref<!tpu.dma_semaphore, #tpu.memory_space<semaphore_mem>>) src(%dma_wait3A_325 : memref<1536x128xf32, #tpu.memory_space<vmem_shared>>) dst(%dma_wait3A_319 : memref<128x128xf32, #tpu.memory_space<vmem>>)
      %add3A_326 = arith.constant 1 : i32
      %add3A_327 = arith.addi %add3A_107, %add3A_326 : i32
      %dma_wait3A_328 = arith.constant 2 : i32
      %dma_wait3A_329 = arith.constant 2 : i32
      %dma_wait3A_330 = arith.constant 0 : i32
      %dma_wait3A_331 = arith.constant 0 : i32
      %dma_wait3A_332 = tpu.memref_slice %arg8[%dma_wait3A_329, %dma_wait3A_330, %dma_wait3A_331] : memref<3x128x128xf32, #tpu.memory_space<vmem>> -> memref<1x128x128xf32, #tpu.memory_space<vmem>>
      %dma_wait3A_333 = tpu.memref_squeeze %dma_wait3A_332 : memref<1x128x128xf32, #tpu.memory_space<vmem>> -> memref<128x128xf32, #tpu.memory_space<vmem>>
      %dma_wait3A_334 = arith.constant 0 : i32
      %dma_wait3A_335 = tpu.memref_slice %arg6[%dma_wait3A_328, %add3A_327, %dma_wait3A_334] : memref<3x32x128xi32, #tpu.memory_space<vmem>> -> memref<1x1x128xi32, #tpu.memory_space<vmem>>
      %dma_wait3A_336 = tpu.memref_squeeze %dma_wait3A_335 : memref<1x1x128xi32, #tpu.memory_space<vmem>> -> memref<128xi32, #tpu.memory_space<vmem>>
      %dma_wait3A_337 = arith.constant 0 : i32
      %dma_wait3A_338 = arith.constant 0 : i32
      %dma_wait3A_339 = tpu.memref_slice %arg5[%dma_wait3A_337, %dma_wait3A_338] : memref<1536x128xf32, #tpu.memory_space<vmem_shared>> -> memref<1536x128xf32, #tpu.memory_space<vmem_shared>>
      tpu.wait_indirect_dma semaphore(%arg9 : memref<!tpu.dma_semaphore, #tpu.memory_space<semaphore_mem>>) src(%dma_wait3A_339 : memref<1536x128xf32, #tpu.memory_space<vmem_shared>>) dst(%dma_wait3A_333 : memref<128x128xf32, #tpu.memory_space<vmem>>)
      %mul3A_340 = arith.constant 128 : i32
      %mul3A_341 = arith.muli %add3A_250, %mul3A_340 : i32
      %add3A_342 = arith.addi %mul3A_2, %mul3A_341 : i32
      %dma_start3A_343 = arith.constant 0 : i32
      %dma_start3A_344 = arith.constant 0 : i32
      %dma_start3A_345 = arith.constant 0 : i32
      %dma_start3A_346 = tpu.memref_slice %arg8[%dma_start3A_343, %dma_start3A_344, %dma_start3A_345] : memref<3x128x128xf32, #tpu.memory_space<vmem>> -> memref<1x128x128xf32, #tpu.memory_space<vmem>>
      %dma_start3A_347 = tpu.memref_squeeze %dma_start3A_346 : memref<1x128x128xf32, #tpu.memory_space<vmem>> -> memref<128x128xf32, #tpu.memory_space<vmem>>
      %dma_start3A_348 = arith.constant 0 : i32
      %dma_start3A_349 = tpu.memref_slice %arg4[%add3A_342, %dma_start3A_348] : memref<262144x384xf32, #tpu.memory_space<hbm>> -> memref<128x128xf32, #tpu.memory_space<hbm>>
      %dma_start3A_350 = arith.constant 0 : i32
      %dma_start3A_351 = tpu.memref_slice %arg4[%add3A_342, %dma_start3A_350] : memref<262144x384xf32, #tpu.memory_space<hbm>> -> memref<128x128xf32, #tpu.memory_space<hbm>>
      %dma_start3A_352 = arith.constant 0 : i32
      %dma_start3A_353 = arith.constant 0 : i32
      %dma_start3A_354 = tpu.memref_slice %arg8[%dma_start3A_343, %dma_start3A_352, %dma_start3A_353] : memref<3x128x128xf32, #tpu.memory_space<vmem>> -> memref<1x128x128xf32, #tpu.memory_space<vmem>>
      %dma_start3A_355 = tpu.memref_squeeze %dma_start3A_354 : memref<1x128x128xf32, #tpu.memory_space<vmem>> -> memref<128x128xf32, #tpu.memory_space<vmem>>
      tpu.enqueue_dma source(%dma_start3A_355 : memref<128x128xf32, #tpu.memory_space<vmem>>) target(%dma_start3A_351 : memref<128x128xf32, #tpu.memory_space<hbm>>) target_semaphore(%arg11 : memref<!tpu.dma_semaphore, #tpu.memory_space<semaphore_mem>>)
      %mul3A_356 = arith.constant 128 : i32
      %mul3A_357 = arith.muli %add3A_250, %mul3A_356 : i32
      %add3A_358 = arith.addi %mul3A_2, %mul3A_357 : i32
      %dma_start3A_359 = arith.constant 1 : i32
      %dma_start3A_360 = arith.constant 0 : i32
      %dma_start3A_361 = arith.constant 0 : i32
      %dma_start3A_362 = tpu.memref_slice %arg8[%dma_start3A_359, %dma_start3A_360, %dma_start3A_361] : memref<3x128x128xf32, #tpu.memory_space<vmem>> -> memref<1x128x128xf32, #tpu.memory_space<vmem>>
      %dma_start3A_363 = tpu.memref_squeeze %dma_start3A_362 : memref<1x128x128xf32, #tpu.memory_space<vmem>> -> memref<128x128xf32, #tpu.memory_space<vmem>>
      %dma_start3A_364 = arith.constant 128 : i32
      %dma_start3A_365 = tpu.memref_slice %arg4[%add3A_358, %dma_start3A_364] : memref<262144x384xf32, #tpu.memory_space<hbm>> -> memref<128x128xf32, #tpu.memory_space<hbm>>
      %dma_start3A_366 = arith.constant 128 : i32
      %dma_start3A_367 = tpu.memref_slice %arg4[%add3A_358, %dma_start3A_366] : memref<262144x384xf32, #tpu.memory_space<hbm>> -> memref<128x128xf32, #tpu.memory_space<hbm>>
      %dma_start3A_368 = arith.constant 0 : i32
      %dma_start3A_369 = arith.constant 0 : i32
      %dma_start3A_370 = tpu.memref_slice %arg8[%dma_start3A_359, %dma_start3A_368, %dma_start3A_369] : memref<3x128x128xf32, #tpu.memory_space<vmem>> -> memref<1x128x128xf32, #tpu.memory_space<vmem>>
      %dma_start3A_371 = tpu.memref_squeeze %dma_start3A_370 : memref<1x128x128xf32, #tpu.memory_space<vmem>> -> memref<128x128xf32, #tpu.memory_space<vmem>>
      tpu.enqueue_dma source(%dma_start3A_371 : memref<128x128xf32, #tpu.memory_space<vmem>>) target(%dma_start3A_367 : memref<128x128xf32, #tpu.memory_space<hbm>>) target_semaphore(%arg11 : memref<!tpu.dma_semaphore, #tpu.memory_space<semaphore_mem>>)
      %mul3A_372 = arith.constant 128 : i32
      %mul3A_373 = arith.muli %add3A_250, %mul3A_372 : i32
      %add3A_374 = arith.addi %mul3A_2, %mul3A_373 : i32
      %dma_start3A_375 = arith.constant 2 : i32
      %dma_start3A_376 = arith.constant 0 : i32
      %dma_start3A_377 = arith.constant 0 : i32
      %dma_start3A_378 = tpu.memref_slice %arg8[%dma_start3A_375, %dma_start3A_376, %dma_start3A_377] : memref<3x128x128xf32, #tpu.memory_space<vmem>> -> memref<1x128x128xf32, #tpu.memory_space<vmem>>
      %dma_start3A_379 = tpu.memref_squeeze %dma_start3A_378 : memref<1x128x128xf32, #tpu.memory_space<vmem>> -> memref<128x128xf32, #tpu.memory_space<vmem>>
      %dma_start3A_380 = arith.constant 256 : i32
      %dma_start3A_381 = tpu.memref_slice %arg4[%add3A_374, %dma_start3A_380] : memref<262144x384xf32, #tpu.memory_space<hbm>> -> memref<128x128xf32, #tpu.memory_space<hbm>>
      %dma_start3A_382 = arith.constant 256 : i32
      %dma_start3A_383 = tpu.memref_slice %arg4[%add3A_374, %dma_start3A_382] : memref<262144x384xf32, #tpu.memory_space<hbm>> -> memref<128x128xf32, #tpu.memory_space<hbm>>
      %dma_start3A_384 = arith.constant 0 : i32
      %dma_start3A_385 = arith.constant 0 : i32
      %dma_start3A_386 = tpu.memref_slice %arg8[%dma_start3A_375, %dma_start3A_384, %dma_start3A_385] : memref<3x128x128xf32, #tpu.memory_space<vmem>> -> memref<1x128x128xf32, #tpu.memory_space<vmem>>
      %dma_start3A_387 = tpu.memref_squeeze %dma_start3A_386 : memref<1x128x128xf32, #tpu.memory_space<vmem>> -> memref<128x128xf32, #tpu.memory_space<vmem>>
      tpu.enqueue_dma source(%dma_start3A_387 : memref<128x128xf32, #tpu.memory_space<vmem>>) target(%dma_start3A_383 : memref<128x128xf32, #tpu.memory_space<hbm>>) target_semaphore(%arg11 : memref<!tpu.dma_semaphore, #tpu.memory_space<semaphore_mem>>)
    }
    %scan3A_8 = arith.constant 16 : i32
    "tpu.region"() ({
      %run_scoped3A = tpu.sem_alloc : memref<!tpu.dma_semaphore, #tpu.memory_space<semaphore_mem>>
      %dma_start3A = arith.constant 0 : i32
      %dma_start3A_103 = arith.constant 32 : i32
      %dma_start3A_104 = arith.constant 0 : i32
      %dma_start3A_105 = tpu.memref_slice %arg3[%dma_start3A, %add3A, %dma_start3A_103, %dma_start3A_104] : memref<3x32x64x128xi32, #tpu.memory_space<hbm>> -> memref<3x1x32x128xi32, #tpu.memory_space<hbm>>
      %dma_start3A_106 = tpu.memref_squeeze %dma_start3A_105 : memref<3x1x32x128xi32, #tpu.memory_space<hbm>> -> memref<3x32x128xi32, #tpu.memory_space<hbm>>
      %dma_start3A_107 = arith.constant 0 : i32
      %dma_start3A_108 = arith.constant 32 : i32
      %dma_start3A_109 = arith.constant 0 : i32
      %dma_start3A_110 = tpu.memref_slice %arg3[%dma_start3A_107, %add3A, %dma_start3A_108, %dma_start3A_109] : memref<3x32x64x128xi32, #tpu.memory_space<hbm>> -> memref<3x1x32x128xi32, #tpu.memory_space<hbm>>
      %dma_start3A_111 = tpu.memref_squeeze %dma_start3A_110 : memref<3x1x32x128xi32, #tpu.memory_space<hbm>> -> memref<3x32x128xi32, #tpu.memory_space<hbm>>
      tpu.enqueue_dma source(%dma_start3A_111 : memref<3x32x128xi32, #tpu.memory_space<hbm>>) target(%arg6 : memref<3x32x128xi32, #tpu.memory_space<vmem>>) target_semaphore(%run_scoped3A : memref<!tpu.dma_semaphore, #tpu.memory_space<semaphore_mem>>)
      %dma_wait3A_112 = arith.constant 0 : i32
      %dma_wait3A_113 = arith.constant 32 : i32
      %dma_wait3A_114 = arith.constant 0 : i32
      %dma_wait3A_115 = tpu.memref_slice %arg3[%dma_wait3A_112, %add3A, %dma_wait3A_113, %dma_wait3A_114] : memref<3x32x64x128xi32, #tpu.memory_space<hbm>> -> memref<3x1x32x128xi32, #tpu.memory_space<hbm>>
      %dma_wait3A_116 = tpu.memref_squeeze %dma_wait3A_115 : memref<3x1x32x128xi32, #tpu.memory_space<hbm>> -> memref<3x32x128xi32, #tpu.memory_space<hbm>>
      %dma_wait3A_117 = arith.constant 0 : i32
      %dma_wait3A_118 = arith.constant 32 : i32
      %dma_wait3A_119 = arith.constant 0 : i32
      %dma_wait3A_120 = tpu.memref_slice %arg3[%dma_wait3A_117, %add3A, %dma_wait3A_118, %dma_wait3A_119] : memref<3x32x64x128xi32, #tpu.memory_space<hbm>> -> memref<3x1x32x128xi32, #tpu.memory_space<hbm>>
      %dma_wait3A_121 = tpu.memref_squeeze %dma_wait3A_120 : memref<3x1x32x128xi32, #tpu.memory_space<hbm>> -> memref<3x32x128xi32, #tpu.memory_space<hbm>>
      tpu.wait_dma2 semaphore(%run_scoped3A : memref<!tpu.dma_semaphore, #tpu.memory_space<semaphore_mem>>) src(%dma_wait3A_121 : memref<3x32x128xi32, #tpu.memory_space<hbm>>) dst(%arg6 : memref<3x32x128xi32, #tpu.memory_space<vmem>>)
      tpu.yield
    }) : () -> ()
    %scan3A_9 = arith.constant 0 : i32
    %scan3A_10 = arith.constant 16 : i32
    %scan3A_11 = arith.addi %scan3A_9, %scan3A_10 : i32
    %scan3A_12 = arith.constant 1 : i32
    scf.for %scan3A_103 = %scan3A_9 to %scan3A_11 step %scan3A_12  : i32 {
      %mul3A_104 = arith.constant 2 : i32
      %mul3A_105 = arith.muli %scan3A_103, %mul3A_104 : i32
      %add3A_106 = arith.constant 0 : i32
      %add3A_107 = arith.addi %add3A_106, %mul3A_105 : i32
      %add3A_108 = arith.constant 32 : i32
      %add3A_109 = arith.addi %add3A_108, %add3A_107 : i32
      %add3A_110 = arith.constant 0 : i32
      %add3A_111 = arith.addi %add3A_109, %add3A_110 : i32
      %ge3A = arith.constant 2 : i32
      %ge3A_112 = arith.cmpi sge, %add3A_111, %ge3A : i32
      %convert_element_type3A_113 = arith.extui %ge3A_112 : i1 to i32
      %cond3A_114 = arith.constant 0 : i32
      %cond3A_115 = arith.cmpi ne, %convert_element_type3A_113, %cond3A_114 : i32
      scf.if %cond3A_115 {
        %add3A_388 = arith.constant 0 : i32
        %add3A_389 = arith.addi %mul3A_2, %add3A_388 : i32
        %dma_wait3A_390 = arith.constant 0 : i32
        %dma_wait3A_391 = arith.constant 0 : i32
        %dma_wait3A_392 = arith.constant 0 : i32
        %dma_wait3A_393 = tpu.memref_slice %arg7[%dma_wait3A_390, %dma_wait3A_391, %dma_wait3A_392] : memref<3x128x128xf32, #tpu.memory_space<vmem>> -> memref<1x128x128xf32, #tpu.memory_space<vmem>>
        %dma_wait3A_394 = tpu.memref_squeeze %dma_wait3A_393 : memref<1x128x128xf32, #tpu.memory_space<vmem>> -> memref<128x128xf32, #tpu.memory_space<vmem>>
        %dma_wait3A_395 = arith.constant 0 : i32
        %dma_wait3A_396 = tpu.memref_slice %arg4[%add3A_389, %dma_wait3A_395] : memref<262144x384xf32, #tpu.memory_space<hbm>> -> memref<128x128xf32, #tpu.memory_space<hbm>>
        %dma_wait3A_397 = arith.constant 0 : i32
        %dma_wait3A_398 = tpu.memref_slice %arg4[%add3A_389, %dma_wait3A_397] : memref<262144x384xf32, #tpu.memory_space<hbm>> -> memref<128x128xf32, #tpu.memory_space<hbm>>
        %dma_wait3A_399 = arith.constant 0 : i32
        %dma_wait3A_400 = arith.constant 0 : i32
        %dma_wait3A_401 = tpu.memref_slice %arg7[%dma_wait3A_390, %dma_wait3A_399, %dma_wait3A_400] : memref<3x128x128xf32, #tpu.memory_space<vmem>> -> memref<1x128x128xf32, #tpu.memory_space<vmem>>
        %dma_wait3A_402 = tpu.memref_squeeze %dma_wait3A_401 : memref<1x128x128xf32, #tpu.memory_space<vmem>> -> memref<128x128xf32, #tpu.memory_space<vmem>>
        tpu.wait_dma2 semaphore(%arg10 : memref<!tpu.dma_semaphore, #tpu.memory_space<semaphore_mem>>) src(%dma_wait3A_402 : memref<128x128xf32, #tpu.memory_space<vmem>>) dst(%dma_wait3A_398 : memref<128x128xf32, #tpu.memory_space<hbm>>)
        %add3A_403 = arith.constant 0 : i32
        %add3A_404 = arith.addi %mul3A_2, %add3A_403 : i32
        %dma_wait3A_405 = arith.constant 1 : i32
        %dma_wait3A_406 = arith.constant 0 : i32
        %dma_wait3A_407 = arith.constant 0 : i32
        %dma_wait3A_408 = tpu.memref_slice %arg7[%dma_wait3A_405, %dma_wait3A_406, %dma_wait3A_407] : memref<3x128x128xf32, #tpu.memory_space<vmem>> -> memref<1x128x128xf32, #tpu.memory_space<vmem>>
        %dma_wait3A_409 = tpu.memref_squeeze %dma_wait3A_408 : memref<1x128x128xf32, #tpu.memory_space<vmem>> -> memref<128x128xf32, #tpu.memory_space<vmem>>
        %dma_wait3A_410 = arith.constant 128 : i32
        %dma_wait3A_411 = tpu.memref_slice %arg4[%add3A_404, %dma_wait3A_410] : memref<262144x384xf32, #tpu.memory_space<hbm>> -> memref<128x128xf32, #tpu.memory_space<hbm>>
        %dma_wait3A_412 = arith.constant 128 : i32
        %dma_wait3A_413 = tpu.memref_slice %arg4[%add3A_404, %dma_wait3A_412] : memref<262144x384xf32, #tpu.memory_space<hbm>> -> memref<128x128xf32, #tpu.memory_space<hbm>>
        %dma_wait3A_414 = arith.constant 0 : i32
        %dma_wait3A_415 = arith.constant 0 : i32
        %dma_wait3A_416 = tpu.memref_slice %arg7[%dma_wait3A_405, %dma_wait3A_414, %dma_wait3A_415] : memref<3x128x128xf32, #tpu.memory_space<vmem>> -> memref<1x128x128xf32, #tpu.memory_space<vmem>>
        %dma_wait3A_417 = tpu.memref_squeeze %dma_wait3A_416 : memref<1x128x128xf32, #tpu.memory_space<vmem>> -> memref<128x128xf32, #tpu.memory_space<vmem>>
        tpu.wait_dma2 semaphore(%arg10 : memref<!tpu.dma_semaphore, #tpu.memory_space<semaphore_mem>>) src(%dma_wait3A_417 : memref<128x128xf32, #tpu.memory_space<vmem>>) dst(%dma_wait3A_413 : memref<128x128xf32, #tpu.memory_space<hbm>>)
        %add3A_418 = arith.constant 0 : i32
        %add3A_419 = arith.addi %mul3A_2, %add3A_418 : i32
        %dma_wait3A_420 = arith.constant 2 : i32
        %dma_wait3A_421 = arith.constant 0 : i32
        %dma_wait3A_422 = arith.constant 0 : i32
        %dma_wait3A_423 = tpu.memref_slice %arg7[%dma_wait3A_420, %dma_wait3A_421, %dma_wait3A_422] : memref<3x128x128xf32, #tpu.memory_space<vmem>> -> memref<1x128x128xf32, #tpu.memory_space<vmem>>
        %dma_wait3A_424 = tpu.memref_squeeze %dma_wait3A_423 : memref<1x128x128xf32, #tpu.memory_space<vmem>> -> memref<128x128xf32, #tpu.memory_space<vmem>>
        %dma_wait3A_425 = arith.constant 256 : i32
        %dma_wait3A_426 = tpu.memref_slice %arg4[%add3A_419, %dma_wait3A_425] : memref<262144x384xf32, #tpu.memory_space<hbm>> -> memref<128x128xf32, #tpu.memory_space<hbm>>
        %dma_wait3A_427 = arith.constant 256 : i32
        %dma_wait3A_428 = tpu.memref_slice %arg4[%add3A_419, %dma_wait3A_427] : memref<262144x384xf32, #tpu.memory_space<hbm>> -> memref<128x128xf32, #tpu.memory_space<hbm>>
        %dma_wait3A_429 = arith.constant 0 : i32
        %dma_wait3A_430 = arith.constant 0 : i32
        %dma_wait3A_431 = tpu.memref_slice %arg7[%dma_wait3A_420, %dma_wait3A_429, %dma_wait3A_430] : memref<3x128x128xf32, #tpu.memory_space<vmem>> -> memref<1x128x128xf32, #tpu.memory_space<vmem>>
        %dma_wait3A_432 = tpu.memref_squeeze %dma_wait3A_431 : memref<1x128x128xf32, #tpu.memory_space<vmem>> -> memref<128x128xf32, #tpu.memory_space<vmem>>
        tpu.wait_dma2 semaphore(%arg10 : memref<!tpu.dma_semaphore, #tpu.memory_space<semaphore_mem>>) src(%dma_wait3A_432 : memref<128x128xf32, #tpu.memory_space<vmem>>) dst(%dma_wait3A_428 : memref<128x128xf32, #tpu.memory_space<hbm>>)
      } else {
      }
      %add3A_116 = arith.constant 0 : i32
      %add3A_117 = arith.addi %add3A_107, %add3A_116 : i32
      %dma_start3A = arith.constant 0 : i32
      %dma_start3A_118 = arith.constant 0 : i32
      %dma_start3A_119 = arith.constant 0 : i32
      %dma_start3A_120 = arith.constant 0 : i32
      %dma_start3A_121 = tpu.memref_slice %arg7[%dma_start3A_118, %dma_start3A_119, %dma_start3A_120] : memref<3x128x128xf32, #tpu.memory_space<vmem>> -> memref<1x128x128xf32, #tpu.memory_space<vmem>>
      %dma_start3A_122 = tpu.memref_squeeze %dma_start3A_121 : memref<1x128x128xf32, #tpu.memory_space<vmem>> -> memref<128x128xf32, #tpu.memory_space<vmem>>
      %dma_start3A_123 = arith.constant 0 : i32
      %dma_start3A_124 = tpu.memref_slice %arg6[%dma_start3A, %add3A_117, %dma_start3A_123] : memref<3x32x128xi32, #tpu.memory_space<vmem>> -> memref<1x1x128xi32, #tpu.memory_space<vmem>>
      %dma_start3A_125 = tpu.memref_squeeze %dma_start3A_124 : memref<1x1x128xi32, #tpu.memory_space<vmem>> -> memref<128xi32, #tpu.memory_space<vmem>>
      %dma_start3A_126 = arith.constant 0 : i32
      %dma_start3A_127 = arith.constant 0 : i32
      %dma_start3A_128 = tpu.memref_slice %arg5[%dma_start3A_126, %dma_start3A_127] : memref<1536x128xf32, #tpu.memory_space<vmem_shared>> -> memref<1536x128xf32, #tpu.memory_space<vmem_shared>>
      tpu.enqueue_indirect_dma source(%dma_start3A_128 : memref<1536x128xf32, #tpu.memory_space<vmem_shared>>) target(%dma_start3A_122 : memref<128x128xf32, #tpu.memory_space<vmem>>) offsets(%dma_start3A_125 : memref<128xi32, #tpu.memory_space<vmem>>) semaphore(%arg9 : memref<!tpu.dma_semaphore, #tpu.memory_space<semaphore_mem>>)
      %add3A_129 = arith.constant 0 : i32
      %add3A_130 = arith.addi %add3A_107, %add3A_129 : i32
      %dma_start3A_131 = arith.constant 1 : i32
      %dma_start3A_132 = arith.constant 1 : i32
      %dma_start3A_133 = arith.constant 0 : i32
      %dma_start3A_134 = arith.constant 0 : i32
      %dma_start3A_135 = tpu.memref_slice %arg7[%dma_start3A_132, %dma_start3A_133, %dma_start3A_134] : memref<3x128x128xf32, #tpu.memory_space<vmem>> -> memref<1x128x128xf32, #tpu.memory_space<vmem>>
      %dma_start3A_136 = tpu.memref_squeeze %dma_start3A_135 : memref<1x128x128xf32, #tpu.memory_space<vmem>> -> memref<128x128xf32, #tpu.memory_space<vmem>>
      %dma_start3A_137 = arith.constant 0 : i32
      %dma_start3A_138 = tpu.memref_slice %arg6[%dma_start3A_131, %add3A_130, %dma_start3A_137] : memref<3x32x128xi32, #tpu.memory_space<vmem>> -> memref<1x1x128xi32, #tpu.memory_space<vmem>>
      %dma_start3A_139 = tpu.memref_squeeze %dma_start3A_138 : memref<1x1x128xi32, #tpu.memory_space<vmem>> -> memref<128xi32, #tpu.memory_space<vmem>>
      %dma_start3A_140 = arith.constant 0 : i32
      %dma_start3A_141 = arith.constant 0 : i32
      %dma_start3A_142 = tpu.memref_slice %arg5[%dma_start3A_140, %dma_start3A_141] : memref<1536x128xf32, #tpu.memory_space<vmem_shared>> -> memref<1536x128xf32, #tpu.memory_space<vmem_shared>>
      tpu.enqueue_indirect_dma source(%dma_start3A_142 : memref<1536x128xf32, #tpu.memory_space<vmem_shared>>) target(%dma_start3A_136 : memref<128x128xf32, #tpu.memory_space<vmem>>) offsets(%dma_start3A_139 : memref<128xi32, #tpu.memory_space<vmem>>) semaphore(%arg9 : memref<!tpu.dma_semaphore, #tpu.memory_space<semaphore_mem>>)
      %add3A_143 = arith.constant 0 : i32
      %add3A_144 = arith.addi %add3A_107, %add3A_143 : i32
      %dma_start3A_145 = arith.constant 2 : i32
      %dma_start3A_146 = arith.constant 2 : i32
      %dma_start3A_147 = arith.constant 0 : i32
      %dma_start3A_148 = arith.constant 0 : i32
      %dma_start3A_149 = tpu.memref_slice %arg7[%dma_start3A_146, %dma_start3A_147, %dma_start3A_148] : memref<3x128x128xf32, #tpu.memory_space<vmem>> -> memref<1x128x128xf32, #tpu.memory_space<vmem>>
      %dma_start3A_150 = tpu.memref_squeeze %dma_start3A_149 : memref<1x128x128xf32, #tpu.memory_space<vmem>> -> memref<128x128xf32, #tpu.memory_space<vmem>>
      %dma_start3A_151 = arith.constant 0 : i32
      %dma_start3A_152 = tpu.memref_slice %arg6[%dma_start3A_145, %add3A_144, %dma_start3A_151] : memref<3x32x128xi32, #tpu.memory_space<vmem>> -> memref<1x1x128xi32, #tpu.memory_space<vmem>>
      %dma_start3A_153 = tpu.memref_squeeze %dma_start3A_152 : memref<1x1x128xi32, #tpu.memory_space<vmem>> -> memref<128xi32, #tpu.memory_space<vmem>>
      %dma_start3A_154 = arith.constant 0 : i32
      %dma_start3A_155 = arith.constant 0 : i32
      %dma_start3A_156 = tpu.memref_slice %arg5[%dma_start3A_154, %dma_start3A_155] : memref<1536x128xf32, #tpu.memory_space<vmem_shared>> -> memref<1536x128xf32, #tpu.memory_space<vmem_shared>>
      tpu.enqueue_indirect_dma source(%dma_start3A_156 : memref<1536x128xf32, #tpu.memory_space<vmem_shared>>) target(%dma_start3A_150 : memref<128x128xf32, #tpu.memory_space<vmem>>) offsets(%dma_start3A_153 : memref<128xi32, #tpu.memory_space<vmem>>) semaphore(%arg9 : memref<!tpu.dma_semaphore, #tpu.memory_space<semaphore_mem>>)
      %add3A_157 = arith.constant 0 : i32
      %add3A_158 = arith.addi %add3A_107, %add3A_157 : i32
      %dma_wait3A_159 = arith.constant 0 : i32
      %dma_wait3A_160 = arith.constant 0 : i32
      %dma_wait3A_161 = arith.constant 0 : i32
      %dma_wait3A_162 = arith.constant 0 : i32
      %dma_wait3A_163 = tpu.memref_slice %arg7[%dma_wait3A_160, %dma_wait3A_161, %dma_wait3A_162] : memref<3x128x128xf32, #tpu.memory_space<vmem>> -> memref<1x128x128xf32, #tpu.memory_space<vmem>>
      %dma_wait3A_164 = tpu.memref_squeeze %dma_wait3A_163 : memref<1x128x128xf32, #tpu.memory_space<vmem>> -> memref<128x128xf32, #tpu.memory_space<vmem>>
      %dma_wait3A_165 = arith.constant 0 : i32
      %dma_wait3A_166 = tpu.memref_slice %arg6[%dma_wait3A_159, %add3A_158, %dma_wait3A_165] : memref<3x32x128xi32, #tpu.memory_space<vmem>> -> memref<1x1x128xi32, #tpu.memory_space<vmem>>
      %dma_wait3A_167 = tpu.memref_squeeze %dma_wait3A_166 : memref<1x1x128xi32, #tpu.memory_space<vmem>> -> memref<128xi32, #tpu.memory_space<vmem>>
      %dma_wait3A_168 = arith.constant 0 : i32
      %dma_wait3A_169 = arith.constant 0 : i32
      %dma_wait3A_170 = tpu.memref_slice %arg5[%dma_wait3A_168, %dma_wait3A_169] : memref<1536x128xf32, #tpu.memory_space<vmem_shared>> -> memref<1536x128xf32, #tpu.memory_space<vmem_shared>>
      tpu.wait_indirect_dma semaphore(%arg9 : memref<!tpu.dma_semaphore, #tpu.memory_space<semaphore_mem>>) src(%dma_wait3A_170 : memref<1536x128xf32, #tpu.memory_space<vmem_shared>>) dst(%dma_wait3A_164 : memref<128x128xf32, #tpu.memory_space<vmem>>)
      %add3A_171 = arith.constant 0 : i32
      %add3A_172 = arith.addi %add3A_107, %add3A_171 : i32
      %dma_wait3A_173 = arith.constant 1 : i32
      %dma_wait3A_174 = arith.constant 1 : i32
      %dma_wait3A_175 = arith.constant 0 : i32
      %dma_wait3A_176 = arith.constant 0 : i32
      %dma_wait3A_177 = tpu.memref_slice %arg7[%dma_wait3A_174, %dma_wait3A_175, %dma_wait3A_176] : memref<3x128x128xf32, #tpu.memory_space<vmem>> -> memref<1x128x128xf32, #tpu.memory_space<vmem>>
      %dma_wait3A_178 = tpu.memref_squeeze %dma_wait3A_177 : memref<1x128x128xf32, #tpu.memory_space<vmem>> -> memref<128x128xf32, #tpu.memory_space<vmem>>
      %dma_wait3A_179 = arith.constant 0 : i32
      %dma_wait3A_180 = tpu.memref_slice %arg6[%dma_wait3A_173, %add3A_172, %dma_wait3A_179] : memref<3x32x128xi32, #tpu.memory_space<vmem>> -> memref<1x1x128xi32, #tpu.memory_space<vmem>>
      %dma_wait3A_181 = tpu.memref_squeeze %dma_wait3A_180 : memref<1x1x128xi32, #tpu.memory_space<vmem>> -> memref<128xi32, #tpu.memory_space<vmem>>
      %dma_wait3A_182 = arith.constant 0 : i32
      %dma_wait3A_183 = arith.constant 0 : i32
      %dma_wait3A_184 = tpu.memref_slice %arg5[%dma_wait3A_182, %dma_wait3A_183] : memref<1536x128xf32, #tpu.memory_space<vmem_shared>> -> memref<1536x128xf32, #tpu.memory_space<vmem_shared>>
      tpu.wait_indirect_dma semaphore(%arg9 : memref<!tpu.dma_semaphore, #tpu.memory_space<semaphore_mem>>) src(%dma_wait3A_184 : memref<1536x128xf32, #tpu.memory_space<vmem_shared>>) dst(%dma_wait3A_178 : memref<128x128xf32, #tpu.memory_space<vmem>>)
      %add3A_185 = arith.constant 0 : i32
      %add3A_186 = arith.addi %add3A_107, %add3A_185 : i32
      %dma_wait3A_187 = arith.constant 2 : i32
      %dma_wait3A_188 = arith.constant 2 : i32
      %dma_wait3A_189 = arith.constant 0 : i32
      %dma_wait3A_190 = arith.constant 0 : i32
      %dma_wait3A_191 = tpu.memref_slice %arg7[%dma_wait3A_188, %dma_wait3A_189, %dma_wait3A_190] : memref<3x128x128xf32, #tpu.memory_space<vmem>> -> memref<1x128x128xf32, #tpu.memory_space<vmem>>
      %dma_wait3A_192 = tpu.memref_squeeze %dma_wait3A_191 : memref<1x128x128xf32, #tpu.memory_space<vmem>> -> memref<128x128xf32, #tpu.memory_space<vmem>>
      %dma_wait3A_193 = arith.constant 0 : i32
      %dma_wait3A_194 = tpu.memref_slice %arg6[%dma_wait3A_187, %add3A_186, %dma_wait3A_193] : memref<3x32x128xi32, #tpu.memory_space<vmem>> -> memref<1x1x128xi32, #tpu.memory_space<vmem>>
      %dma_wait3A_195 = tpu.memref_squeeze %dma_wait3A_194 : memref<1x1x128xi32, #tpu.memory_space<vmem>> -> memref<128xi32, #tpu.memory_space<vmem>>
      %dma_wait3A_196 = arith.constant 0 : i32
      %dma_wait3A_197 = arith.constant 0 : i32
      %dma_wait3A_198 = tpu.memref_slice %arg5[%dma_wait3A_196, %dma_wait3A_197] : memref<1536x128xf32, #tpu.memory_space<vmem_shared>> -> memref<1536x128xf32, #tpu.memory_space<vmem_shared>>
      tpu.wait_indirect_dma semaphore(%arg9 : memref<!tpu.dma_semaphore, #tpu.memory_space<semaphore_mem>>) src(%dma_wait3A_198 : memref<1536x128xf32, #tpu.memory_space<vmem_shared>>) dst(%dma_wait3A_192 : memref<128x128xf32, #tpu.memory_space<vmem>>)
      %mul3A_199 = arith.constant 128 : i32
      %mul3A_200 = arith.muli %add3A_111, %mul3A_199 : i32
      %add3A_201 = arith.addi %mul3A_2, %mul3A_200 : i32
      %dma_start3A_202 = arith.constant 0 : i32
      %dma_start3A_203 = arith.constant 0 : i32
      %dma_start3A_204 = arith.constant 0 : i32
      %dma_start3A_205 = tpu.memref_slice %arg7[%dma_start3A_202, %dma_start3A_203, %dma_start3A_204] : memref<3x128x128xf32, #tpu.memory_space<vmem>> -> memref<1x128x128xf32, #tpu.memory_space<vmem>>
      %dma_start3A_206 = tpu.memref_squeeze %dma_start3A_205 : memref<1x128x128xf32, #tpu.memory_space<vmem>> -> memref<128x128xf32, #tpu.memory_space<vmem>>
      %dma_start3A_207 = arith.constant 0 : i32
      %dma_start3A_208 = tpu.memref_slice %arg4[%add3A_201, %dma_start3A_207] : memref<262144x384xf32, #tpu.memory_space<hbm>> -> memref<128x128xf32, #tpu.memory_space<hbm>>
      %dma_start3A_209 = arith.constant 0 : i32
      %dma_start3A_210 = tpu.memref_slice %arg4[%add3A_201, %dma_start3A_209] : memref<262144x384xf32, #tpu.memory_space<hbm>> -> memref<128x128xf32, #tpu.memory_space<hbm>>
      %dma_start3A_211 = arith.constant 0 : i32
      %dma_start3A_212 = arith.constant 0 : i32
      %dma_start3A_213 = tpu.memref_slice %arg7[%dma_start3A_202, %dma_start3A_211, %dma_start3A_212] : memref<3x128x128xf32, #tpu.memory_space<vmem>> -> memref<1x128x128xf32, #tpu.memory_space<vmem>>
      %dma_start3A_214 = tpu.memref_squeeze %dma_start3A_213 : memref<1x128x128xf32, #tpu.memory_space<vmem>> -> memref<128x128xf32, #tpu.memory_space<vmem>>
      tpu.enqueue_dma source(%dma_start3A_214 : memref<128x128xf32, #tpu.memory_space<vmem>>) target(%dma_start3A_210 : memref<128x128xf32, #tpu.memory_space<hbm>>) target_semaphore(%arg10 : memref<!tpu.dma_semaphore, #tpu.memory_space<semaphore_mem>>)
      %mul3A_215 = arith.constant 128 : i32
      %mul3A_216 = arith.muli %add3A_111, %mul3A_215 : i32
      %add3A_217 = arith.addi %mul3A_2, %mul3A_216 : i32
      %dma_start3A_218 = arith.constant 1 : i32
      %dma_start3A_219 = arith.constant 0 : i32
      %dma_start3A_220 = arith.constant 0 : i32
      %dma_start3A_221 = tpu.memref_slice %arg7[%dma_start3A_218, %dma_start3A_219, %dma_start3A_220] : memref<3x128x128xf32, #tpu.memory_space<vmem>> -> memref<1x128x128xf32, #tpu.memory_space<vmem>>
      %dma_start3A_222 = tpu.memref_squeeze %dma_start3A_221 : memref<1x128x128xf32, #tpu.memory_space<vmem>> -> memref<128x128xf32, #tpu.memory_space<vmem>>
      %dma_start3A_223 = arith.constant 128 : i32
      %dma_start3A_224 = tpu.memref_slice %arg4[%add3A_217, %dma_start3A_223] : memref<262144x384xf32, #tpu.memory_space<hbm>> -> memref<128x128xf32, #tpu.memory_space<hbm>>
      %dma_start3A_225 = arith.constant 128 : i32
      %dma_start3A_226 = tpu.memref_slice %arg4[%add3A_217, %dma_start3A_225] : memref<262144x384xf32, #tpu.memory_space<hbm>> -> memref<128x128xf32, #tpu.memory_space<hbm>>
      %dma_start3A_227 = arith.constant 0 : i32
      %dma_start3A_228 = arith.constant 0 : i32
      %dma_start3A_229 = tpu.memref_slice %arg7[%dma_start3A_218, %dma_start3A_227, %dma_start3A_228] : memref<3x128x128xf32, #tpu.memory_space<vmem>> -> memref<1x128x128xf32, #tpu.memory_space<vmem>>
      %dma_start3A_230 = tpu.memref_squeeze %dma_start3A_229 : memref<1x128x128xf32, #tpu.memory_space<vmem>> -> memref<128x128xf32, #tpu.memory_space<vmem>>
      tpu.enqueue_dma source(%dma_start3A_230 : memref<128x128xf32, #tpu.memory_space<vmem>>) target(%dma_start3A_226 : memref<128x128xf32, #tpu.memory_space<hbm>>) target_semaphore(%arg10 : memref<!tpu.dma_semaphore, #tpu.memory_space<semaphore_mem>>)
      %mul3A_231 = arith.constant 128 : i32
      %mul3A_232 = arith.muli %add3A_111, %mul3A_231 : i32
      %add3A_233 = arith.addi %mul3A_2, %mul3A_232 : i32
      %dma_start3A_234 = arith.constant 2 : i32
      %dma_start3A_235 = arith.constant 0 : i32
      %dma_start3A_236 = arith.constant 0 : i32
      %dma_start3A_237 = tpu.memref_slice %arg7[%dma_start3A_234, %dma_start3A_235, %dma_start3A_236] : memref<3x128x128xf32, #tpu.memory_space<vmem>> -> memref<1x128x128xf32, #tpu.memory_space<vmem>>
      %dma_start3A_238 = tpu.memref_squeeze %dma_start3A_237 : memref<1x128x128xf32, #tpu.memory_space<vmem>> -> memref<128x128xf32, #tpu.memory_space<vmem>>
      %dma_start3A_239 = arith.constant 256 : i32
      %dma_start3A_240 = tpu.memref_slice %arg4[%add3A_233, %dma_start3A_239] : memref<262144x384xf32, #tpu.memory_space<hbm>> -> memref<128x128xf32, #tpu.memory_space<hbm>>
      %dma_start3A_241 = arith.constant 256 : i32
      %dma_start3A_242 = tpu.memref_slice %arg4[%add3A_233, %dma_start3A_241] : memref<262144x384xf32, #tpu.memory_space<hbm>> -> memref<128x128xf32, #tpu.memory_space<hbm>>
      %dma_start3A_243 = arith.constant 0 : i32
      %dma_start3A_244 = arith.constant 0 : i32
      %dma_start3A_245 = tpu.memref_slice %arg7[%dma_start3A_234, %dma_start3A_243, %dma_start3A_244] : memref<3x128x128xf32, #tpu.memory_space<vmem>> -> memref<1x128x128xf32, #tpu.memory_space<vmem>>
      %dma_start3A_246 = tpu.memref_squeeze %dma_start3A_245 : memref<1x128x128xf32, #tpu.memory_space<vmem>> -> memref<128x128xf32, #tpu.memory_space<vmem>>
      tpu.enqueue_dma source(%dma_start3A_246 : memref<128x128xf32, #tpu.memory_space<vmem>>) target(%dma_start3A_242 : memref<128x128xf32, #tpu.memory_space<hbm>>) target_semaphore(%arg10 : memref<!tpu.dma_semaphore, #tpu.memory_space<semaphore_mem>>)
      %add3A_247 = arith.constant 32 : i32
      %add3A_248 = arith.addi %add3A_247, %add3A_107 : i32
      %add3A_249 = arith.constant 1 : i32
      %add3A_250 = arith.addi %add3A_248, %add3A_249 : i32
      %ge3A_251 = arith.constant 2 : i32
      %ge3A_252 = arith.cmpi sge, %add3A_250, %ge3A_251 : i32
      %convert_element_type3A_253 = arith.extui %ge3A_252 : i1 to i32
      %cond3A_254 = arith.constant 0 : i32
      %cond3A_255 = arith.cmpi ne, %convert_element_type3A_253, %cond3A_254 : i32
      scf.if %cond3A_255 {
        %add3A_388 = arith.constant 0 : i32
        %add3A_389 = arith.addi %mul3A_2, %add3A_388 : i32
        %dma_wait3A_390 = arith.constant 0 : i32
        %dma_wait3A_391 = arith.constant 0 : i32
        %dma_wait3A_392 = arith.constant 0 : i32
        %dma_wait3A_393 = tpu.memref_slice %arg8[%dma_wait3A_390, %dma_wait3A_391, %dma_wait3A_392] : memref<3x128x128xf32, #tpu.memory_space<vmem>> -> memref<1x128x128xf32, #tpu.memory_space<vmem>>
        %dma_wait3A_394 = tpu.memref_squeeze %dma_wait3A_393 : memref<1x128x128xf32, #tpu.memory_space<vmem>> -> memref<128x128xf32, #tpu.memory_space<vmem>>
        %dma_wait3A_395 = arith.constant 0 : i32
        %dma_wait3A_396 = tpu.memref_slice %arg4[%add3A_389, %dma_wait3A_395] : memref<262144x384xf32, #tpu.memory_space<hbm>> -> memref<128x128xf32, #tpu.memory_space<hbm>>
        %dma_wait3A_397 = arith.constant 0 : i32
        %dma_wait3A_398 = tpu.memref_slice %arg4[%add3A_389, %dma_wait3A_397] : memref<262144x384xf32, #tpu.memory_space<hbm>> -> memref<128x128xf32, #tpu.memory_space<hbm>>
        %dma_wait3A_399 = arith.constant 0 : i32
        %dma_wait3A_400 = arith.constant 0 : i32
        %dma_wait3A_401 = tpu.memref_slice %arg8[%dma_wait3A_390, %dma_wait3A_399, %dma_wait3A_400] : memref<3x128x128xf32, #tpu.memory_space<vmem>> -> memref<1x128x128xf32, #tpu.memory_space<vmem>>
        %dma_wait3A_402 = tpu.memref_squeeze %dma_wait3A_401 : memref<1x128x128xf32, #tpu.memory_space<vmem>> -> memref<128x128xf32, #tpu.memory_space<vmem>>
        tpu.wait_dma2 semaphore(%arg11 : memref<!tpu.dma_semaphore, #tpu.memory_space<semaphore_mem>>) src(%dma_wait3A_402 : memref<128x128xf32, #tpu.memory_space<vmem>>) dst(%dma_wait3A_398 : memref<128x128xf32, #tpu.memory_space<hbm>>)
        %add3A_403 = arith.constant 0 : i32
        %add3A_404 = arith.addi %mul3A_2, %add3A_403 : i32
        %dma_wait3A_405 = arith.constant 1 : i32
        %dma_wait3A_406 = arith.constant 0 : i32
        %dma_wait3A_407 = arith.constant 0 : i32
        %dma_wait3A_408 = tpu.memref_slice %arg8[%dma_wait3A_405, %dma_wait3A_406, %dma_wait3A_407] : memref<3x128x128xf32, #tpu.memory_space<vmem>> -> memref<1x128x128xf32, #tpu.memory_space<vmem>>
        %dma_wait3A_409 = tpu.memref_squeeze %dma_wait3A_408 : memref<1x128x128xf32, #tpu.memory_space<vmem>> -> memref<128x128xf32, #tpu.memory_space<vmem>>
        %dma_wait3A_410 = arith.constant 128 : i32
        %dma_wait3A_411 = tpu.memref_slice %arg4[%add3A_404, %dma_wait3A_410] : memref<262144x384xf32, #tpu.memory_space<hbm>> -> memref<128x128xf32, #tpu.memory_space<hbm>>
        %dma_wait3A_412 = arith.constant 128 : i32
        %dma_wait3A_413 = tpu.memref_slice %arg4[%add3A_404, %dma_wait3A_412] : memref<262144x384xf32, #tpu.memory_space<hbm>> -> memref<128x128xf32, #tpu.memory_space<hbm>>
        %dma_wait3A_414 = arith.constant 0 : i32
        %dma_wait3A_415 = arith.constant 0 : i32
        %dma_wait3A_416 = tpu.memref_slice %arg8[%dma_wait3A_405, %dma_wait3A_414, %dma_wait3A_415] : memref<3x128x128xf32, #tpu.memory_space<vmem>> -> memref<1x128x128xf32, #tpu.memory_space<vmem>>
        %dma_wait3A_417 = tpu.memref_squeeze %dma_wait3A_416 : memref<1x128x128xf32, #tpu.memory_space<vmem>> -> memref<128x128xf32, #tpu.memory_space<vmem>>
        tpu.wait_dma2 semaphore(%arg11 : memref<!tpu.dma_semaphore, #tpu.memory_space<semaphore_mem>>) src(%dma_wait3A_417 : memref<128x128xf32, #tpu.memory_space<vmem>>) dst(%dma_wait3A_413 : memref<128x128xf32, #tpu.memory_space<hbm>>)
        %add3A_418 = arith.constant 0 : i32
        %add3A_419 = arith.addi %mul3A_2, %add3A_418 : i32
        %dma_wait3A_420 = arith.constant 2 : i32
        %dma_wait3A_421 = arith.constant 0 : i32
        %dma_wait3A_422 = arith.constant 0 : i32
        %dma_wait3A_423 = tpu.memref_slice %arg8[%dma_wait3A_420, %dma_wait3A_421, %dma_wait3A_422] : memref<3x128x128xf32, #tpu.memory_space<vmem>> -> memref<1x128x128xf32, #tpu.memory_space<vmem>>
        %dma_wait3A_424 = tpu.memref_squeeze %dma_wait3A_423 : memref<1x128x128xf32, #tpu.memory_space<vmem>> -> memref<128x128xf32, #tpu.memory_space<vmem>>
        %dma_wait3A_425 = arith.constant 256 : i32
        %dma_wait3A_426 = tpu.memref_slice %arg4[%add3A_419, %dma_wait3A_425] : memref<262144x384xf32, #tpu.memory_space<hbm>> -> memref<128x128xf32, #tpu.memory_space<hbm>>
        %dma_wait3A_427 = arith.constant 256 : i32
        %dma_wait3A_428 = tpu.memref_slice %arg4[%add3A_419, %dma_wait3A_427] : memref<262144x384xf32, #tpu.memory_space<hbm>> -> memref<128x128xf32, #tpu.memory_space<hbm>>
        %dma_wait3A_429 = arith.constant 0 : i32
        %dma_wait3A_430 = arith.constant 0 : i32
        %dma_wait3A_431 = tpu.memref_slice %arg8[%dma_wait3A_420, %dma_wait3A_429, %dma_wait3A_430] : memref<3x128x128xf32, #tpu.memory_space<vmem>> -> memref<1x128x128xf32, #tpu.memory_space<vmem>>
        %dma_wait3A_432 = tpu.memref_squeeze %dma_wait3A_431 : memref<1x128x128xf32, #tpu.memory_space<vmem>> -> memref<128x128xf32, #tpu.memory_space<vmem>>
        tpu.wait_dma2 semaphore(%arg11 : memref<!tpu.dma_semaphore, #tpu.memory_space<semaphore_mem>>) src(%dma_wait3A_432 : memref<128x128xf32, #tpu.memory_space<vmem>>) dst(%dma_wait3A_428 : memref<128x128xf32, #tpu.memory_space<hbm>>)
      } else {
      }
      %add3A_256 = arith.constant 1 : i32
      %add3A_257 = arith.addi %add3A_107, %add3A_256 : i32
      %dma_start3A_258 = arith.constant 0 : i32
      %dma_start3A_259 = arith.constant 0 : i32
      %dma_start3A_260 = arith.constant 0 : i32
      %dma_start3A_261 = arith.constant 0 : i32
      %dma_start3A_262 = tpu.memref_slice %arg8[%dma_start3A_259, %dma_start3A_260, %dma_start3A_261] : memref<3x128x128xf32, #tpu.memory_space<vmem>> -> memref<1x128x128xf32, #tpu.memory_space<vmem>>
      %dma_start3A_263 = tpu.memref_squeeze %dma_start3A_262 : memref<1x128x128xf32, #tpu.memory_space<vmem>> -> memref<128x128xf32, #tpu.memory_space<vmem>>
      %dma_start3A_264 = arith.constant 0 : i32
      %dma_start3A_265 = tpu.memref_slice %arg6[%dma_start3A_258, %add3A_257, %dma_start3A_264] : memref<3x32x128xi32, #tpu.memory_space<vmem>> -> memref<1x1x128xi32, #tpu.memory_space<vmem>>
      %dma_start3A_266 = tpu.memref_squeeze %dma_start3A_265 : memref<1x1x128xi32, #tpu.memory_space<vmem>> -> memref<128xi32, #tpu.memory_space<vmem>>
      %dma_start3A_267 = arith.constant 0 : i32
      %dma_start3A_268 = arith.constant 0 : i32
      %dma_start3A_269 = tpu.memref_slice %arg5[%dma_start3A_267, %dma_start3A_268] : memref<1536x128xf32, #tpu.memory_space<vmem_shared>> -> memref<1536x128xf32, #tpu.memory_space<vmem_shared>>
      tpu.enqueue_indirect_dma source(%dma_start3A_269 : memref<1536x128xf32, #tpu.memory_space<vmem_shared>>) target(%dma_start3A_263 : memref<128x128xf32, #tpu.memory_space<vmem>>) offsets(%dma_start3A_266 : memref<128xi32, #tpu.memory_space<vmem>>) semaphore(%arg9 : memref<!tpu.dma_semaphore, #tpu.memory_space<semaphore_mem>>)
      %add3A_270 = arith.constant 1 : i32
      %add3A_271 = arith.addi %add3A_107, %add3A_270 : i32
      %dma_start3A_272 = arith.constant 1 : i32
      %dma_start3A_273 = arith.constant 1 : i32
      %dma_start3A_274 = arith.constant 0 : i32
      %dma_start3A_275 = arith.constant 0 : i32
      %dma_start3A_276 = tpu.memref_slice %arg8[%dma_start3A_273, %dma_start3A_274, %dma_start3A_275] : memref<3x128x128xf32, #tpu.memory_space<vmem>> -> memref<1x128x128xf32, #tpu.memory_space<vmem>>
      %dma_start3A_277 = tpu.memref_squeeze %dma_start3A_276 : memref<1x128x128xf32, #tpu.memory_space<vmem>> -> memref<128x128xf32, #tpu.memory_space<vmem>>
      %dma_start3A_278 = arith.constant 0 : i32
      %dma_start3A_279 = tpu.memref_slice %arg6[%dma_start3A_272, %add3A_271, %dma_start3A_278] : memref<3x32x128xi32, #tpu.memory_space<vmem>> -> memref<1x1x128xi32, #tpu.memory_space<vmem>>
      %dma_start3A_280 = tpu.memref_squeeze %dma_start3A_279 : memref<1x1x128xi32, #tpu.memory_space<vmem>> -> memref<128xi32, #tpu.memory_space<vmem>>
      %dma_start3A_281 = arith.constant 0 : i32
      %dma_start3A_282 = arith.constant 0 : i32
      %dma_start3A_283 = tpu.memref_slice %arg5[%dma_start3A_281, %dma_start3A_282] : memref<1536x128xf32, #tpu.memory_space<vmem_shared>> -> memref<1536x128xf32, #tpu.memory_space<vmem_shared>>
      tpu.enqueue_indirect_dma source(%dma_start3A_283 : memref<1536x128xf32, #tpu.memory_space<vmem_shared>>) target(%dma_start3A_277 : memref<128x128xf32, #tpu.memory_space<vmem>>) offsets(%dma_start3A_280 : memref<128xi32, #tpu.memory_space<vmem>>) semaphore(%arg9 : memref<!tpu.dma_semaphore, #tpu.memory_space<semaphore_mem>>)
      %add3A_284 = arith.constant 1 : i32
      %add3A_285 = arith.addi %add3A_107, %add3A_284 : i32
      %dma_start3A_286 = arith.constant 2 : i32
      %dma_start3A_287 = arith.constant 2 : i32
      %dma_start3A_288 = arith.constant 0 : i32
      %dma_start3A_289 = arith.constant 0 : i32
      %dma_start3A_290 = tpu.memref_slice %arg8[%dma_start3A_287, %dma_start3A_288, %dma_start3A_289] : memref<3x128x128xf32, #tpu.memory_space<vmem>> -> memref<1x128x128xf32, #tpu.memory_space<vmem>>
      %dma_start3A_291 = tpu.memref_squeeze %dma_start3A_290 : memref<1x128x128xf32, #tpu.memory_space<vmem>> -> memref<128x128xf32, #tpu.memory_space<vmem>>
      %dma_start3A_292 = arith.constant 0 : i32
      %dma_start3A_293 = tpu.memref_slice %arg6[%dma_start3A_286, %add3A_285, %dma_start3A_292] : memref<3x32x128xi32, #tpu.memory_space<vmem>> -> memref<1x1x128xi32, #tpu.memory_space<vmem>>
      %dma_start3A_294 = tpu.memref_squeeze %dma_start3A_293 : memref<1x1x128xi32, #tpu.memory_space<vmem>> -> memref<128xi32, #tpu.memory_space<vmem>>
      %dma_start3A_295 = arith.constant 0 : i32
      %dma_start3A_296 = arith.constant 0 : i32
      %dma_start3A_297 = tpu.memref_slice %arg5[%dma_start3A_295, %dma_start3A_296] : memref<1536x128xf32, #tpu.memory_space<vmem_shared>> -> memref<1536x128xf32, #tpu.memory_space<vmem_shared>>
      tpu.enqueue_indirect_dma source(%dma_start3A_297 : memref<1536x128xf32, #tpu.memory_space<vmem_shared>>) target(%dma_start3A_291 : memref<128x128xf32, #tpu.memory_space<vmem>>) offsets(%dma_start3A_294 : memref<128xi32, #tpu.memory_space<vmem>>) semaphore(%arg9 : memref<!tpu.dma_semaphore, #tpu.memory_space<semaphore_mem>>)
      %add3A_298 = arith.constant 1 : i32
      %add3A_299 = arith.addi %add3A_107, %add3A_298 : i32
      %dma_wait3A_300 = arith.constant 0 : i32
      %dma_wait3A_301 = arith.constant 0 : i32
      %dma_wait3A_302 = arith.constant 0 : i32
      %dma_wait3A_303 = arith.constant 0 : i32
      %dma_wait3A_304 = tpu.memref_slice %arg8[%dma_wait3A_301, %dma_wait3A_302, %dma_wait3A_303] : memref<3x128x128xf32, #tpu.memory_space<vmem>> -> memref<1x128x128xf32, #tpu.memory_space<vmem>>
      %dma_wait3A_305 = tpu.memref_squeeze %dma_wait3A_304 : memref<1x128x128xf32, #tpu.memory_space<vmem>> -> memref<128x128xf32, #tpu.memory_space<vmem>>
      %dma_wait3A_306 = arith.constant 0 : i32
      %dma_wait3A_307 = tpu.memref_slice %arg6[%dma_wait3A_300, %add3A_299, %dma_wait3A_306] : memref<3x32x128xi32, #tpu.memory_space<vmem>> -> memref<1x1x128xi32, #tpu.memory_space<vmem>>
      %dma_wait3A_308 = tpu.memref_squeeze %dma_wait3A_307 : memref<1x1x128xi32, #tpu.memory_space<vmem>> -> memref<128xi32, #tpu.memory_space<vmem>>
      %dma_wait3A_309 = arith.constant 0 : i32
      %dma_wait3A_310 = arith.constant 0 : i32
      %dma_wait3A_311 = tpu.memref_slice %arg5[%dma_wait3A_309, %dma_wait3A_310] : memref<1536x128xf32, #tpu.memory_space<vmem_shared>> -> memref<1536x128xf32, #tpu.memory_space<vmem_shared>>
      tpu.wait_indirect_dma semaphore(%arg9 : memref<!tpu.dma_semaphore, #tpu.memory_space<semaphore_mem>>) src(%dma_wait3A_311 : memref<1536x128xf32, #tpu.memory_space<vmem_shared>>) dst(%dma_wait3A_305 : memref<128x128xf32, #tpu.memory_space<vmem>>)
      %add3A_312 = arith.constant 1 : i32
      %add3A_313 = arith.addi %add3A_107, %add3A_312 : i32
      %dma_wait3A_314 = arith.constant 1 : i32
      %dma_wait3A_315 = arith.constant 1 : i32
      %dma_wait3A_316 = arith.constant 0 : i32
      %dma_wait3A_317 = arith.constant 0 : i32
      %dma_wait3A_318 = tpu.memref_slice %arg8[%dma_wait3A_315, %dma_wait3A_316, %dma_wait3A_317] : memref<3x128x128xf32, #tpu.memory_space<vmem>> -> memref<1x128x128xf32, #tpu.memory_space<vmem>>
      %dma_wait3A_319 = tpu.memref_squeeze %dma_wait3A_318 : memref<1x128x128xf32, #tpu.memory_space<vmem>> -> memref<128x128xf32, #tpu.memory_space<vmem>>
      %dma_wait3A_320 = arith.constant 0 : i32
      %dma_wait3A_321 = tpu.memref_slice %arg6[%dma_wait3A_314, %add3A_313, %dma_wait3A_320] : memref<3x32x128xi32, #tpu.memory_space<vmem>> -> memref<1x1x128xi32, #tpu.memory_space<vmem>>
      %dma_wait3A_322 = tpu.memref_squeeze %dma_wait3A_321 : memref<1x1x128xi32, #tpu.memory_space<vmem>> -> memref<128xi32, #tpu.memory_space<vmem>>
      %dma_wait3A_323 = arith.constant 0 : i32
      %dma_wait3A_324 = arith.constant 0 : i32
      %dma_wait3A_325 = tpu.memref_slice %arg5[%dma_wait3A_323, %dma_wait3A_324] : memref<1536x128xf32, #tpu.memory_space<vmem_shared>> -> memref<1536x128xf32, #tpu.memory_space<vmem_shared>>
      tpu.wait_indirect_dma semaphore(%arg9 : memref<!tpu.dma_semaphore, #tpu.memory_space<semaphore_mem>>) src(%dma_wait3A_325 : memref<1536x128xf32, #tpu.memory_space<vmem_shared>>) dst(%dma_wait3A_319 : memref<128x128xf32, #tpu.memory_space<vmem>>)
      %add3A_326 = arith.constant 1 : i32
      %add3A_327 = arith.addi %add3A_107, %add3A_326 : i32
      %dma_wait3A_328 = arith.constant 2 : i32
      %dma_wait3A_329 = arith.constant 2 : i32
      %dma_wait3A_330 = arith.constant 0 : i32
      %dma_wait3A_331 = arith.constant 0 : i32
      %dma_wait3A_332 = tpu.memref_slice %arg8[%dma_wait3A_329, %dma_wait3A_330, %dma_wait3A_331] : memref<3x128x128xf32, #tpu.memory_space<vmem>> -> memref<1x128x128xf32, #tpu.memory_space<vmem>>
      %dma_wait3A_333 = tpu.memref_squeeze %dma_wait3A_332 : memref<1x128x128xf32, #tpu.memory_space<vmem>> -> memref<128x128xf32, #tpu.memory_space<vmem>>
      %dma_wait3A_334 = arith.constant 0 : i32
      %dma_wait3A_335 = tpu.memref_slice %arg6[%dma_wait3A_328, %add3A_327, %dma_wait3A_334] : memref<3x32x128xi32, #tpu.memory_space<vmem>> -> memref<1x1x128xi32, #tpu.memory_space<vmem>>
      %dma_wait3A_336 = tpu.memref_squeeze %dma_wait3A_335 : memref<1x1x128xi32, #tpu.memory_space<vmem>> -> memref<128xi32, #tpu.memory_space<vmem>>
      %dma_wait3A_337 = arith.constant 0 : i32
      %dma_wait3A_338 = arith.constant 0 : i32
      %dma_wait3A_339 = tpu.memref_slice %arg5[%dma_wait3A_337, %dma_wait3A_338] : memref<1536x128xf32, #tpu.memory_space<vmem_shared>> -> memref<1536x128xf32, #tpu.memory_space<vmem_shared>>
      tpu.wait_indirect_dma semaphore(%arg9 : memref<!tpu.dma_semaphore, #tpu.memory_space<semaphore_mem>>) src(%dma_wait3A_339 : memref<1536x128xf32, #tpu.memory_space<vmem_shared>>) dst(%dma_wait3A_333 : memref<128x128xf32, #tpu.memory_space<vmem>>)
      %mul3A_340 = arith.constant 128 : i32
      %mul3A_341 = arith.muli %add3A_250, %mul3A_340 : i32
      %add3A_342 = arith.addi %mul3A_2, %mul3A_341 : i32
      %dma_start3A_343 = arith.constant 0 : i32
      %dma_start3A_344 = arith.constant 0 : i32
      %dma_start3A_345 = arith.constant 0 : i32
      %dma_start3A_346 = tpu.memref_slice %arg8[%dma_start3A_343, %dma_start3A_344, %dma_start3A_345] : memref<3x128x128xf32, #tpu.memory_space<vmem>> -> memref<1x128x128xf32, #tpu.memory_space<vmem>>
      %dma_start3A_347 = tpu.memref_squeeze %dma_start3A_346 : memref<1x128x128xf32, #tpu.memory_space<vmem>> -> memref<128x128xf32, #tpu.memory_space<vmem>>
      %dma_start3A_348 = arith.constant 0 : i32
      %dma_start3A_349 = tpu.memref_slice %arg4[%add3A_342, %dma_start3A_348] : memref<262144x384xf32, #tpu.memory_space<hbm>> -> memref<128x128xf32, #tpu.memory_space<hbm>>
      %dma_start3A_350 = arith.constant 0 : i32
      %dma_start3A_351 = tpu.memref_slice %arg4[%add3A_342, %dma_start3A_350] : memref<262144x384xf32, #tpu.memory_space<hbm>> -> memref<128x128xf32, #tpu.memory_space<hbm>>
      %dma_start3A_352 = arith.constant 0 : i32
      %dma_start3A_353 = arith.constant 0 : i32
      %dma_start3A_354 = tpu.memref_slice %arg8[%dma_start3A_343, %dma_start3A_352, %dma_start3A_353] : memref<3x128x128xf32, #tpu.memory_space<vmem>> -> memref<1x128x128xf32, #tpu.memory_space<vmem>>
      %dma_start3A_355 = tpu.memref_squeeze %dma_start3A_354 : memref<1x128x128xf32, #tpu.memory_space<vmem>> -> memref<128x128xf32, #tpu.memory_space<vmem>>
      tpu.enqueue_dma source(%dma_start3A_355 : memref<128x128xf32, #tpu.memory_space<vmem>>) target(%dma_start3A_351 : memref<128x128xf32, #tpu.memory_space<hbm>>) target_semaphore(%arg11 : memref<!tpu.dma_semaphore, #tpu.memory_space<semaphore_mem>>)
      %mul3A_356 = arith.constant 128 : i32
      %mul3A_357 = arith.muli %add3A_250, %mul3A_356 : i32
      %add3A_358 = arith.addi %mul3A_2, %mul3A_357 : i32
      %dma_start3A_359 = arith.constant 1 : i32
      %dma_start3A_360 = arith.constant 0 : i32
      %dma_start3A_361 = arith.constant 0 : i32
      %dma_start3A_362 = tpu.memref_slice %arg8[%dma_start3A_359, %dma_start3A_360, %dma_start3A_361] : memref<3x128x128xf32, #tpu.memory_space<vmem>> -> memref<1x128x128xf32, #tpu.memory_space<vmem>>
      %dma_start3A_363 = tpu.memref_squeeze %dma_start3A_362 : memref<1x128x128xf32, #tpu.memory_space<vmem>> -> memref<128x128xf32, #tpu.memory_space<vmem>>
      %dma_start3A_364 = arith.constant 128 : i32
      %dma_start3A_365 = tpu.memref_slice %arg4[%add3A_358, %dma_start3A_364] : memref<262144x384xf32, #tpu.memory_space<hbm>> -> memref<128x128xf32, #tpu.memory_space<hbm>>
      %dma_start3A_366 = arith.constant 128 : i32
      %dma_start3A_367 = tpu.memref_slice %arg4[%add3A_358, %dma_start3A_366] : memref<262144x384xf32, #tpu.memory_space<hbm>> -> memref<128x128xf32, #tpu.memory_space<hbm>>
      %dma_start3A_368 = arith.constant 0 : i32
      %dma_start3A_369 = arith.constant 0 : i32
      %dma_start3A_370 = tpu.memref_slice %arg8[%dma_start3A_359, %dma_start3A_368, %dma_start3A_369] : memref<3x128x128xf32, #tpu.memory_space<vmem>> -> memref<1x128x128xf32, #tpu.memory_space<vmem>>
      %dma_start3A_371 = tpu.memref_squeeze %dma_start3A_370 : memref<1x128x128xf32, #tpu.memory_space<vmem>> -> memref<128x128xf32, #tpu.memory_space<vmem>>
      tpu.enqueue_dma source(%dma_start3A_371 : memref<128x128xf32, #tpu.memory_space<vmem>>) target(%dma_start3A_367 : memref<128x128xf32, #tpu.memory_space<hbm>>) target_semaphore(%arg11 : memref<!tpu.dma_semaphore, #tpu.memory_space<semaphore_mem>>)
      %mul3A_372 = arith.constant 128 : i32
      %mul3A_373 = arith.muli %add3A_250, %mul3A_372 : i32
      %add3A_374 = arith.addi %mul3A_2, %mul3A_373 : i32
      %dma_start3A_375 = arith.constant 2 : i32
      %dma_start3A_376 = arith.constant 0 : i32
      %dma_start3A_377 = arith.constant 0 : i32
      %dma_start3A_378 = tpu.memref_slice %arg8[%dma_start3A_375, %dma_start3A_376, %dma_start3A_377] : memref<3x128x128xf32, #tpu.memory_space<vmem>> -> memref<1x128x128xf32, #tpu.memory_space<vmem>>
      %dma_start3A_379 = tpu.memref_squeeze %dma_start3A_378 : memref<1x128x128xf32, #tpu.memory_space<vmem>> -> memref<128x128xf32, #tpu.memory_space<vmem>>
      %dma_start3A_380 = arith.constant 256 : i32
      %dma_start3A_381 = tpu.memref_slice %arg4[%add3A_374, %dma_start3A_380] : memref<262144x384xf32, #tpu.memory_space<hbm>> -> memref<128x128xf32, #tpu.memory_space<hbm>>
      %dma_start3A_382 = arith.constant 256 : i32
      %dma_start3A_383 = tpu.memref_slice %arg4[%add3A_374, %dma_start3A_382] : memref<262144x384xf32, #tpu.memory_space<hbm>> -> memref<128x128xf32, #tpu.memory_space<hbm>>
      %dma_start3A_384 = arith.constant 0 : i32
      %dma_start3A_385 = arith.constant 0 : i32
      %dma_start3A_386 = tpu.memref_slice %arg8[%dma_start3A_375, %dma_start3A_384, %dma_start3A_385] : memref<3x128x128xf32, #tpu.memory_space<vmem>> -> memref<1x128x128xf32, #tpu.memory_space<vmem>>
      %dma_start3A_387 = tpu.memref_squeeze %dma_start3A_386 : memref<1x128x128xf32, #tpu.memory_space<vmem>> -> memref<128x128xf32, #tpu.memory_space<vmem>>
      tpu.enqueue_dma source(%dma_start3A_387 : memref<128x128xf32, #tpu.memory_space<vmem>>) target(%dma_start3A_383 : memref<128x128xf32, #tpu.memory_space<hbm>>) target_semaphore(%arg11 : memref<!tpu.dma_semaphore, #tpu.memory_space<semaphore_mem>>)
    }
    %scan3A_13 = arith.constant 16 : i32
    %add3A_14 = arith.constant 0 : i32
    %add3A_15 = arith.addi %mul3A_2, %add3A_14 : i32
    %dma_wait3A = arith.constant 0 : i32
    %dma_wait3A_16 = arith.constant 0 : i32
    %dma_wait3A_17 = arith.constant 0 : i32
    %dma_wait3A_18 = tpu.memref_slice %arg7[%dma_wait3A, %dma_wait3A_16, %dma_wait3A_17] : memref<3x128x128xf32, #tpu.memory_space<vmem>> -> memref<1x128x128xf32, #tpu.memory_space<vmem>>
    %dma_wait3A_19 = tpu.memref_squeeze %dma_wait3A_18 : memref<1x128x128xf32, #tpu.memory_space<vmem>> -> memref<128x128xf32, #tpu.memory_space<vmem>>
    %dma_wait3A_20 = arith.constant 0 : i32
    %dma_wait3A_21 = tpu.memref_slice %arg4[%add3A_15, %dma_wait3A_20] : memref<262144x384xf32, #tpu.memory_space<hbm>> -> memref<128x128xf32, #tpu.memory_space<hbm>>
    %dma_wait3A_22 = arith.constant 0 : i32
    %dma_wait3A_23 = tpu.memref_slice %arg4[%add3A_15, %dma_wait3A_22] : memref<262144x384xf32, #tpu.memory_space<hbm>> -> memref<128x128xf32, #tpu.memory_space<hbm>>
    %dma_wait3A_24 = arith.constant 0 : i32
    %dma_wait3A_25 = arith.constant 0 : i32
    %dma_wait3A_26 = tpu.memref_slice %arg7[%dma_wait3A, %dma_wait3A_24, %dma_wait3A_25] : memref<3x128x128xf32, #tpu.memory_space<vmem>> -> memref<1x128x128xf32, #tpu.memory_space<vmem>>
    %dma_wait3A_27 = tpu.memref_squeeze %dma_wait3A_26 : memref<1x128x128xf32, #tpu.memory_space<vmem>> -> memref<128x128xf32, #tpu.memory_space<vmem>>
    tpu.wait_dma2 semaphore(%arg10 : memref<!tpu.dma_semaphore, #tpu.memory_space<semaphore_mem>>) src(%dma_wait3A_27 : memref<128x128xf32, #tpu.memory_space<vmem>>) dst(%dma_wait3A_23 : memref<128x128xf32, #tpu.memory_space<hbm>>)
    %add3A_28 = arith.constant 0 : i32
    %add3A_29 = arith.addi %mul3A_2, %add3A_28 : i32
    %dma_wait3A_30 = arith.constant 1 : i32
    %dma_wait3A_31 = arith.constant 0 : i32
    %dma_wait3A_32 = arith.constant 0 : i32
    %dma_wait3A_33 = tpu.memref_slice %arg7[%dma_wait3A_30, %dma_wait3A_31, %dma_wait3A_32] : memref<3x128x128xf32, #tpu.memory_space<vmem>> -> memref<1x128x128xf32, #tpu.memory_space<vmem>>
    %dma_wait3A_34 = tpu.memref_squeeze %dma_wait3A_33 : memref<1x128x128xf32, #tpu.memory_space<vmem>> -> memref<128x128xf32, #tpu.memory_space<vmem>>
    %dma_wait3A_35 = arith.constant 128 : i32
    %dma_wait3A_36 = tpu.memref_slice %arg4[%add3A_29, %dma_wait3A_35] : memref<262144x384xf32, #tpu.memory_space<hbm>> -> memref<128x128xf32, #tpu.memory_space<hbm>>
    %dma_wait3A_37 = arith.constant 128 : i32
    %dma_wait3A_38 = tpu.memref_slice %arg4[%add3A_29, %dma_wait3A_37] : memref<262144x384xf32, #tpu.memory_space<hbm>> -> memref<128x128xf32, #tpu.memory_space<hbm>>
    %dma_wait3A_39 = arith.constant 0 : i32
    %dma_wait3A_40 = arith.constant 0 : i32
    %dma_wait3A_41 = tpu.memref_slice %arg7[%dma_wait3A_30, %dma_wait3A_39, %dma_wait3A_40] : memref<3x128x128xf32, #tpu.memory_space<vmem>> -> memref<1x128x128xf32, #tpu.memory_space<vmem>>
    %dma_wait3A_42 = tpu.memref_squeeze %dma_wait3A_41 : memref<1x128x128xf32, #tpu.memory_space<vmem>> -> memref<128x128xf32, #tpu.memory_space<vmem>>
    tpu.wait_dma2 semaphore(%arg10 : memref<!tpu.dma_semaphore, #tpu.memory_space<semaphore_mem>>) src(%dma_wait3A_42 : memref<128x128xf32, #tpu.memory_space<vmem>>) dst(%dma_wait3A_38 : memref<128x128xf32, #tpu.memory_space<hbm>>)
    %add3A_43 = arith.constant 0 : i32
    %add3A_44 = arith.addi %mul3A_2, %add3A_43 : i32
    %dma_wait3A_45 = arith.constant 2 : i32
    %dma_wait3A_46 = arith.constant 0 : i32
    %dma_wait3A_47 = arith.constant 0 : i32
    %dma_wait3A_48 = tpu.memref_slice %arg7[%dma_wait3A_45, %dma_wait3A_46, %dma_wait3A_47] : memref<3x128x128xf32, #tpu.memory_space<vmem>> -> memref<1x128x128xf32, #tpu.memory_space<vmem>>
    %dma_wait3A_49 = tpu.memref_squeeze %dma_wait3A_48 : memref<1x128x128xf32, #tpu.memory_space<vmem>> -> memref<128x128xf32, #tpu.memory_space<vmem>>
    %dma_wait3A_50 = arith.constant 256 : i32
    %dma_wait3A_51 = tpu.memref_slice %arg4[%add3A_44, %dma_wait3A_50] : memref<262144x384xf32, #tpu.memory_space<hbm>> -> memref<128x128xf32, #tpu.memory_space<hbm>>
    %dma_wait3A_52 = arith.constant 256 : i32
    %dma_wait3A_53 = tpu.memref_slice %arg4[%add3A_44, %dma_wait3A_52] : memref<262144x384xf32, #tpu.memory_space<hbm>> -> memref<128x128xf32, #tpu.memory_space<hbm>>
    %dma_wait3A_54 = arith.constant 0 : i32
    %dma_wait3A_55 = arith.constant 0 : i32
    %dma_wait3A_56 = tpu.memref_slice %arg7[%dma_wait3A_45, %dma_wait3A_54, %dma_wait3A_55] : memref<3x128x128xf32, #tpu.memory_space<vmem>> -> memref<1x128x128xf32, #tpu.memory_space<vmem>>
    %dma_wait3A_57 = tpu.memref_squeeze %dma_wait3A_56 : memref<1x128x128xf32, #tpu.memory_space<vmem>> -> memref<128x128xf32, #tpu.memory_space<vmem>>
    tpu.wait_dma2 semaphore(%arg10 : memref<!tpu.dma_semaphore, #tpu.memory_space<semaphore_mem>>) src(%dma_wait3A_57 : memref<128x128xf32, #tpu.memory_space<vmem>>) dst(%dma_wait3A_53 : memref<128x128xf32, #tpu.memory_space<hbm>>)
    %add3A_58 = arith.constant 0 : i32
    %add3A_59 = arith.addi %mul3A_2, %add3A_58 : i32
    %dma_wait3A_60 = arith.constant 0 : i32
    %dma_wait3A_61 = arith.constant 0 : i32
    %dma_wait3A_62 = arith.constant 0 : i32
    %dma_wait3A_63 = tpu.memref_slice %arg8[%dma_wait3A_60, %dma_wait3A_61, %dma_wait3A_62] : memref<3x128x128xf32, #tpu.memory_space<vmem>> -> memref<1x128x128xf32, #tpu.memory_space<vmem>>
    %dma_wait3A_64 = tpu.memref_squeeze %dma_wait3A_63 : memref<1x128x128xf32, #tpu.memory_space<vmem>> -> memref<128x128xf32, #tpu.memory_space<vmem>>
    %dma_wait3A_65 = arith.constant 0 : i32
    %dma_wait3A_66 = tpu.memref_slice %arg4[%add3A_59, %dma_wait3A_65] : memref<262144x384xf32, #tpu.memory_space<hbm>> -> memref<128x128xf32, #tpu.memory_space<hbm>>
    %dma_wait3A_67 = arith.constant 0 : i32
    %dma_wait3A_68 = tpu.memref_slice %arg4[%add3A_59, %dma_wait3A_67] : memref<262144x384xf32, #tpu.memory_space<hbm>> -> memref<128x128xf32, #tpu.memory_space<hbm>>
    %dma_wait3A_69 = arith.constant 0 : i32
    %dma_wait3A_70 = arith.constant 0 : i32
    %dma_wait3A_71 = tpu.memref_slice %arg8[%dma_wait3A_60, %dma_wait3A_69, %dma_wait3A_70] : memref<3x128x128xf32, #tpu.memory_space<vmem>> -> memref<1x128x128xf32, #tpu.memory_space<vmem>>
    %dma_wait3A_72 = tpu.memref_squeeze %dma_wait3A_71 : memref<1x128x128xf32, #tpu.memory_space<vmem>> -> memref<128x128xf32, #tpu.memory_space<vmem>>
    tpu.wait_dma2 semaphore(%arg11 : memref<!tpu.dma_semaphore, #tpu.memory_space<semaphore_mem>>) src(%dma_wait3A_72 : memref<128x128xf32, #tpu.memory_space<vmem>>) dst(%dma_wait3A_68 : memref<128x128xf32, #tpu.memory_space<hbm>>)
    %add3A_73 = arith.constant 0 : i32
    %add3A_74 = arith.addi %mul3A_2, %add3A_73 : i32
    %dma_wait3A_75 = arith.constant 1 : i32
    %dma_wait3A_76 = arith.constant 0 : i32
    %dma_wait3A_77 = arith.constant 0 : i32
    %dma_wait3A_78 = tpu.memref_slice %arg8[%dma_wait3A_75, %dma_wait3A_76, %dma_wait3A_77] : memref<3x128x128xf32, #tpu.memory_space<vmem>> -> memref<1x128x128xf32, #tpu.memory_space<vmem>>
    %dma_wait3A_79 = tpu.memref_squeeze %dma_wait3A_78 : memref<1x128x128xf32, #tpu.memory_space<vmem>> -> memref<128x128xf32, #tpu.memory_space<vmem>>
    %dma_wait3A_80 = arith.constant 128 : i32
    %dma_wait3A_81 = tpu.memref_slice %arg4[%add3A_74, %dma_wait3A_80] : memref<262144x384xf32, #tpu.memory_space<hbm>> -> memref<128x128xf32, #tpu.memory_space<hbm>>
    %dma_wait3A_82 = arith.constant 128 : i32
    %dma_wait3A_83 = tpu.memref_slice %arg4[%add3A_74, %dma_wait3A_82] : memref<262144x384xf32, #tpu.memory_space<hbm>> -> memref<128x128xf32, #tpu.memory_space<hbm>>
    %dma_wait3A_84 = arith.constant 0 : i32
    %dma_wait3A_85 = arith.constant 0 : i32
    %dma_wait3A_86 = tpu.memref_slice %arg8[%dma_wait3A_75, %dma_wait3A_84, %dma_wait3A_85] : memref<3x128x128xf32, #tpu.memory_space<vmem>> -> memref<1x128x128xf32, #tpu.memory_space<vmem>>
    %dma_wait3A_87 = tpu.memref_squeeze %dma_wait3A_86 : memref<1x128x128xf32, #tpu.memory_space<vmem>> -> memref<128x128xf32, #tpu.memory_space<vmem>>
    tpu.wait_dma2 semaphore(%arg11 : memref<!tpu.dma_semaphore, #tpu.memory_space<semaphore_mem>>) src(%dma_wait3A_87 : memref<128x128xf32, #tpu.memory_space<vmem>>) dst(%dma_wait3A_83 : memref<128x128xf32, #tpu.memory_space<hbm>>)
    %add3A_88 = arith.constant 0 : i32
    %add3A_89 = arith.addi %mul3A_2, %add3A_88 : i32
    %dma_wait3A_90 = arith.constant 2 : i32
    %dma_wait3A_91 = arith.constant 0 : i32
    %dma_wait3A_92 = arith.constant 0 : i32
    %dma_wait3A_93 = tpu.memref_slice %arg8[%dma_wait3A_90, %dma_wait3A_91, %dma_wait3A_92] : memref<3x128x128xf32, #tpu.memory_space<vmem>> -> memref<1x128x128xf32, #tpu.memory_space<vmem>>
    %dma_wait3A_94 = tpu.memref_squeeze %dma_wait3A_93 : memref<1x128x128xf32, #tpu.memory_space<vmem>> -> memref<128x128xf32, #tpu.memory_space<vmem>>
    %dma_wait3A_95 = arith.constant 256 : i32
    %dma_wait3A_96 = tpu.memref_slice %arg4[%add3A_89, %dma_wait3A_95] : memref<262144x384xf32, #tpu.memory_space<hbm>> -> memref<128x128xf32, #tpu.memory_space<hbm>>
    %dma_wait3A_97 = arith.constant 256 : i32
    %dma_wait3A_98 = tpu.memref_slice %arg4[%add3A_89, %dma_wait3A_97] : memref<262144x384xf32, #tpu.memory_space<hbm>> -> memref<128x128xf32, #tpu.memory_space<hbm>>
    %dma_wait3A_99 = arith.constant 0 : i32
    %dma_wait3A_100 = arith.constant 0 : i32
    %dma_wait3A_101 = tpu.memref_slice %arg8[%dma_wait3A_90, %dma_wait3A_99, %dma_wait3A_100] : memref<3x128x128xf32, #tpu.memory_space<vmem>> -> memref<1x128x128xf32, #tpu.memory_space<vmem>>
    %dma_wait3A_102 = tpu.memref_squeeze %dma_wait3A_101 : memref<1x128x128xf32, #tpu.memory_space<vmem>> -> memref<128x128xf32, #tpu.memory_space<vmem>>
    tpu.wait_dma2 semaphore(%arg11 : memref<!tpu.dma_semaphore, #tpu.memory_space<semaphore_mem>>) src(%dma_wait3A_102 : memref<128x128xf32, #tpu.memory_space<vmem>>) dst(%dma_wait3A_98 : memref<128x128xf32, #tpu.memory_space<hbm>>)
    return
  }
}

</mosaic_0001>

<sc_bundles>
// kernel: kernel.3.cloned.1.call-start
scs
__scs_entry_jumppad:
0x0: {  	(pc) =	sbr.rel $0x88, $3  }
0x1: {  	(tag) =	ssettag $0x0;
	lr =	simm.s32 $0x1  }
0x2: {  	[smem:$0x3F9D] =	sst lr;
	_ =	strace $0xD0000000  }
0x3: {  	_ = 	snop  }
0x4: {  	_ = 	snop  }
0x5: {  	_ = 	snop  }
0x6: {  	_ = 	snop  }
0x7: {  	_ = 	snop  }
__scs_overlays_trampoline_lowered:
0x8: {  	[smem:$0x3FAC] =	sst s0  }
0x9: {  	[smem:$0x3FAD] =	sst s1  }
0xa: {  	[smem:$0x3FAE] =	sst s2  }
0xb: {  	[smem:$0x3FAF] =	sst s3  }
0xc: {  	[smem:$0x3FB0] =	sst s4  }
0xd: {  	[smem:$0x3FB1] =	sst s5  }
0xe: {  	[smem:$0x3FB2] =	sst s6  }
0xf: {  	[smem:$0x3FB3] =	sst s7  }
0x10: {  	[smem:$0x3FB4] =	sst s8  }
0x11: {  	[smem:$0x3FB5] =	sst s9;
	s0 =	simm.s32 @!p0 $0x0  }
0x12: {  	s1 =	sld [smem:$0x3F9B];
	s0 =	simm.s32 @p0 $0x1  }
0x13: {  	[smem:$0x3FB6] =	sst s0;
	s0 =	simm.s32 @!p1 $0x0  }
0x14: {  	s2 =	sld [smem:$0x3F9A];
	s0 =	simm.s32 @p1 $0x1  }
0x15: {  	[smem:$0x3FB7] =	sst s0;
	s0 =	simm.s32 @!p2 $0x0  }
0x16: {  	s3 =	sld [smem:$0x3FDB];
	s0 =	simm.s32 @p2 $0x1  }
0x17: {  	s4 =	simm.s32 $0x1BF5;
	[smem:$0x3FB9] =	sst s0  }
0x18: {  	s0 =	sld [smem:$0x3F9C];
	_ =	swait.ge [sflag:s4], $0x0  }
0x19: {  	s7 =	sld [smem:$0x3F9D]  }
0x1a: {  	s8 =	sadd.s32 $0xFFFFE003, lr  }
0x1b: {  	s9 =	sadd.s32 $0xFFFFFEF7, lr;
	s5 =	simm.s32 $0xFFFFFFFF;
	p2 =	slt.u32 s8, $0xFFFFF086  }
0x1c: {  	p1 =	slt.u32 s9, $0xF7A;
	s5 =	simm.s32 @!p2 $0x0  }
0x1d: {  	s5 =	simm.s32 @p1 $0x1;
	p0 =	seq.s32 s7, s2  }
0x1e: {  	s7 =	smul.u32 @!p0 $0xF7A, s2;
	p2 =	seq.s32 @!p0 s5, $0x0  }
0x1f: {  	s9 =	smul.u32 $0xF7A, s1;
	s8 =	simm.s32 @!p0 $0x1BF5;
	p2 =	por !p2, p0  }
0x20: {  	[sflag:s8] =	ssyncset.s32 @!p0 $0xFFFFF086;
	s6 =	sadd.s32 @!p0 s3, s7;
	s7 =	simm.s32 @!p0 $0x108  }
0x21: {  	s3 =	sadd.s32 s3, s9;
	s6 =	sadd.s32 @!p0 $0x88, s6;
	s7 =	simm.s32 @p2 $0x1082  }
0x22: {  	[simem:s7], [sflag:s8] =	dma.local @!p0 [hbm:s6], $0xF7A  }
0x23: {  	s9 =	sor.u32 $0xD0000000, s2;
	s6 =	simm.s32 $0x108;
	_ =	swait.ge @!p0 [sflag:s8], $0x0  }
0x24: {  	s3 =	sadd.s32 $0x88, s3;
	s6 =	simm.s32 @!p1 $0x1082;
	[sflag:s4] =	ssyncset.s32 $0xFFFFF086  }
0x25: {  	[simem:s6], [sflag:s4] =	dma.local [hbm:s3], $0xF7A  }
0x26: {  	[smem:$0x3F9D] =	sst s1;
	(tag) =	ssettag s2;
	_ =	strace s9  }
0x27: {  	s1 =	sld [smem:$0x3FAD]  }
0x28: {  	s2 =	sld [smem:$0x3FAE]  }
0x29: {  	s4 =	sld [smem:$0x3FB0]  }
0x2a: {  	p0 =	seq.s32 s5, $0x0;
	s5 =	sld [smem:$0x3FB1]  }
0x2b: {  	s6 =	sld [smem:$0x3FB2]  }
0x2c: {  	s7 =	sld [smem:$0x3FB3]  }
0x2d: {  	s3 =	simm.s32 $0x108;
	s8 =	sld [smem:$0x3FB4]  }
0x2e: {  	s3 =	simm.s32 @!p0 $0x1082;
	s9 =	sld [smem:$0x3FB5]  }
0x2f: {  	lr =	sadd.s32 s0, s3;
	s0 =	sld [smem:$0x3FAC]  }
0x30: {  	s3 =	sld [smem:$0x3FAF]  }
0x31: {  	[smem:$0x3FB8] =	sst s10  }
0x32: {  	s10 =	sld [smem:$0x3FB6];
	_ =	sdelay $0x3  }
0x33: {  	p0 =	seq.s32 s10, $0x1;
	s10 =	sld [smem:$0x3FB8];
	_ =	sdelay $0x3  }
0x34: {  	[smem:$0x3FB8] =	sst s10  }
0x35: {  	s10 =	sld [smem:$0x3FB7];
	_ =	sdelay $0x3  }
0x36: {  	p1 =	seq.s32 s10, $0x1;
	s10 =	sld [smem:$0x3FB8];
	_ =	sdelay $0x3  }
0x37: {  	[smem:$0x3FB8] =	sst s10  }
0x38: {  	s10 =	sld [smem:$0x3FB9]  }
0x39: {  	_ = 	snop;
	(pc) =	sbr.ind lr, $3  }
0x3a: {  	_ = 	snop  }
0x3b: {  	_ = 	snop  }
0x3c: {  	p2 =	seq.s32 s10, $0x1;
	s10 =	sld [smem:$0x3FB8]  }
0x3d: {  	_ =	shalt  }
0x3e: {  	_ =	shalt  }
0x3f: {  	_ =	shalt  }
0x40: {  	_ =	shalt  }
0x41: {  	_ =	shalt  }
0x42: {  	_ =	shalt  }
0x43: {  	_ =	shalt  }
0x44: {  	_ =	shalt  }
0x45: {  	_ =	shalt  }
0x46: {  	_ =	shalt  }
0x47: {  	_ =	shalt  }
0x48: {  	_ =	shalt  }
0x49: {  	_ =	shalt  }
0x4a: {  	_ =	shalt  }
0x4b: {  	_ =	shalt  }
0x4c: {  	_ =	shalt  }
0x4d: {  	_ =	shalt  }
0x4e: {  	_ =	shalt  }
0x4f: {  	_ =	shalt  }
0x50: {  	_ =	shalt  }
0x51: {  	_ =	shalt  }
0x52: {  	_ =	shalt  }
0x53: {  	_ =	shalt  }
0x54: {  	_ =	shalt  }
0x55: {  	_ =	shalt  }
0x56: {  	_ =	shalt  }
0x57: {  	_ =	shalt  }
0x58: {  	_ =	shalt  }
0x59: {  	_ =	shalt  }
0x5a: {  	_ =	shalt  }
0x5b: {  	_ =	shalt  }
0x5c: {  	_ =	shalt  }
0x5d: {  	_ =	shalt  }
0x5e: {  	_ =	shalt  }
0x5f: {  	_ =	shalt  }
0x60: {  	_ =	shalt  }
0x61: {  	_ =	shalt  }
0x62: {  	_ =	shalt  }
0x63: {  	_ =	shalt  }
0x64: {  	_ =	shalt  }
0x65: {  	_ =	shalt  }
0x66: {  	_ =	shalt  }
0x67: {  	_ =	shalt  }
0x68: {  	_ =	shalt  }
0x69: {  	_ =	shalt  }
0x6a: {  	_ =	shalt  }
0x6b: {  	_ =	shalt  }
0x6c: {  	_ =	shalt  }
0x6d: {  	_ =	shalt  }
0x6e: {  	_ =	shalt  }
0x6f: {  	_ =	shalt  }
0x70: {  	_ =	shalt  }
0x71: {  	_ =	shalt  }
0x72: {  	_ =	shalt  }
0x73: {  	_ =	shalt  }
0x74: {  	_ =	shalt  }
0x75: {  	_ =	shalt  }
0x76: {  	_ =	shalt  }
0x77: {  	_ =	shalt  }
0x78: {  	_ =	shalt  }
0x79: {  	_ =	shalt  }
0x7a: {  	_ =	shalt  }
0x7b: {  	_ =	shalt  }
0x7c: {  	_ =	shalt  }
0x7d: {  	_ =	shalt  }
0x7e: {  	_ =	shalt  }
0x7f: {  	_ =	shalt  }
0x80: {  	_ =	shalt  }
0x81: {  	_ =	shalt  }
0x82: {  	_ =	shalt  }
0x83: {  	_ =	shalt  }
0x84: {  	_ =	shalt  }
0x85: {  	_ =	shalt  }
0x86: {  	_ =	shalt  }
0x87: {  	_ =	shalt  }
.Lfunc_end0:
.L_simem_size_0:
called_computation_lowered:
.L_overlay_start_0:
0x88: {  	s2 =	sld [smem:$0x3FD9]  }
0x89: {  	s3 =	sld [smem:$0x3FFE];
	_ =	sdelay $0x1  }
0x8a: {  	s1 =	srdreg.scid  }
0x8b: {  	s0 =	sand.u32 $0x1, s1  }
0x8c: {  	s17 =	sshll.u32 s0, $0xA;
	s2 =	sadd.s32 s3, s2  }
0x8d: {  	s2 =	sadd.s32 s2, s17  }
0x8e: {  	[smem:$0x3FC4] =	sst s2  }
0x8f: {  	_ = 	snop  }
0x90: {  	s2 =	sld [smem:$0x3FD0];
	(tm) =	ssettm $0x1  }
0x91: {  	s18 =	sld [smem:$0x3FFB];
	_ =	sdelay $0x3  }
0x92: {  	_ =	strace s18  }
0x93: {  	s3 =	sld [smem:$0x3FFC];
	_ =	sdelay $0x3  }
0x94: {  	_ =	strace s3  }
0x95: {  	s3 =	sld [smem:$0x3FFD];
	_ =	sdelay $0x3  }
0x96: {  	_ =	strace s3  }
0x97: {  	_ =	strace $0x8FFFFFFF  }
0x98: {  	s19 =	sld [smem:$0x3FDB];
	_ =	sdelay $0x1  }
0x99: {  	s4 =	simm.s32 $_scs_section_size  }
0x9a: {  	s5 =	simm.s32 $_size__tile_overlayer_lowered;
	s6 =	simm.s32 $_tile_overlayer_lowered  }
0x9b: {  	s22 =	simm.s32 $0x1BFF;
	s21 =	sshll.u32 s6, $0x1;
	s3 =	sadd.s32 s4, s19  }
0x9c: {  	s7 =	simm.s32 $0x0;
	s20 =	sshll.u32 s5, $0x1;
	s5 =	sadd.s32 s21, s3  }
0x9d: {  	[timem:s7], [sflag:s22] =	dma.local [hbm:s5], s20  }
0x9e: {  	_ =	swait.ge [sflag:s22], s20  }
0x9f: {  	s4 =	ssub.s32 $0x0, s20;
	[sflag:s22] =	ssyncset.done $0x0  }
0xa0: {  	[sflag:s22] =	ssyncadd.s32 s4;
	_ =	sdelay $0x1  }
0xa1: {  	s23 =	simm.s32 $0x1B8B  }
0xa2: {  	_ =	swait.ge [sflag:s23], $0x1  }
0xa3: {  	[sflag:s23] =	ssyncset.done $0x0  }
0xa4: {  	s25 =	simm.s32 $0x1B8E;
	s24 =	sld [smem:$0x3FFE];
	[sflag:s23] =	ssyncadd.s32 $0xFFFFFFFF  }
0xa5: {  	s26 =	simm.s32 $execute0_lowered;
	[smem:$0x3FD2] =	sst s25  }
0xa6: {  	s5 =	sshll.u32 s26, $0x1;
	_ =	strace $0x80000046;
	[dreg:$0x1] =	wrdreg $0xFFFFFFFF  }
0xa7: {  	s28 =	simm.s32 $_size_execute0_lowered;
	s3 =	sadd.s32 s3, s5;
	[dreg:$0x0] =	wrdreg $0x0  }
0xa8: {  	s5 =	sshll.u32 s28, $0x1;
	[dreg:$0x2] =	wrdreg s3  }
0xa9: {  	[dreg:$0x3] =	wrdreg s5  }
0xaa: {  	[dreg:$0x4] =	wrdreg $0xC0  }
0xab: {  	_ =	task [dreg:s7], $0x5FFFF  }
0xac: {  	[dreg:$0x1] =	wrdreg $0xFFFFFFFF  }
0xad: {  	[dreg:$0x0] =	wrdreg $0x60  }
0xae: {  	[dreg:$0x2] =	wrdreg s24  }
0xaf: {  	[dreg:$0x3] =	wrdreg s2  }
0xb0: {  	[dreg:$0x4] =	wrdreg $0x0  }
0xb1: {  	[dreg:$0x5] =	wrdreg $0x9  }
0xb2: {  	_ =	task.clear_ibuf [dreg:s7], $0x6FFFF;
	_ =	strace $0x90000046  }
0xb3: {  	s29 =	simm.s32 $0x9;
	_ =	strace $0x80000048  }
0xb4: {  	_ =	swait.ge [sflag:s29], $0x1  }
0xb5: {  	[sflag:s29] =	ssyncadd.s32 $0xFFFFFFFF  }
0xb6: {  	_ =	strace $0x90000048  }
0xb7: {  	_ =	sfence  }
0xb8: {  	s30 =	sld [smem:$0x0];
	_ =	sdelay $0x2  }
0xb9: {  	s31 =	sshll.u32 s1, $0xD;
	s1 =	sshrl.u32 s1, $0x2  }
0xba: {  	s3 =	sand.u32 $0x4000, s31;
	s1 =	sadd.s32 s1, s30  }
0xbb: {  	s0 =	sor.u32 s3, s0;
	s1 =	sshll.u32 s1, $0x11  }
0xbc: {  	s0 =	sor.u32 s1, s0  }
0xbd: {  	s0 =	sadd.s32 $0x8F2B, s0  }
0xbe: {  	[sflag:s0] =	ssyncadd.remote.s32 $0x1  }
0xbf: {  	_ =	sfence.sel $0xFFFF  }
0xc0: {  	[dreg:$0x0] =	wrdreg $0xFFFFFFFF;
	(pc) =	sbr.abs _section_cstart, $3  }
0xc1: {  	[dreg:$0x1] =	wrdreg $0xFFFFFFFF  }
0xc2: {  	_ =	task.clear_ibuf [dreg:s7], $0x2FFFF;
	_ =	strace $0x9FFFFFFF  }
0xc3: {  	(tm) =	ssettm $0x7FFFFFFF  }
tec
execute0_lowered:
.L_overlay_start_1:
0x0: {  	(tag) =	ssettag $0x1  }
0x1: {  	s0 =	rddreg [dreg:$0x0]  }
0x2: {  	s1 =	rddreg [dreg:$0x1]  }
0x3: {  	s2 =	rddreg [dreg:$0x2]  }
0x4: {  	s3 =	simm.s32 $0x0;
	s4 =	srdreg.scid;
	s6 =	stileid.u32  }
0x5: {  	s31 =	simm.s32 $0x1000;
	s16 =	simm.s32 $0x3000;
	s17 =	simm.s32 $0x4  }
0x6: {  	s18 =	simm.s32 $0x80;
	s19 =	simm.s32 $0x6000;
	s20 =	simm.s32 $0xA000  }
0x7: {  	s21 =	simm.s32 $0xE000;
	s22 =	simm.s32 $0x1;
	s28 =	simm.s32 $0x1A000  }
0x8: {  	s29 =	simm.s32 $0x2;
	s30 =	simm.s32 $0x3;
	[smem:$0x7FF] =	sst s3  }
0x9: {  	s4 =	sand.u32 $0x1, s4;
	s7 =	sshll.u32 s6, $0xD;
	s8 =	sadd.s32 $0x18A00, s0  }
0xa: {  	p0 =	sne.s32 s6, $0x0;
	_ =	strace $0x80000047;
	s5 =	sshll.u32 s4, $0x11  }
0xb: {  	[dreg:$0x4] =	wrdreg s8;
	s4 =	ssub.s32 $0x2, s4;
	s8 =	sadd.s32 $0x100, s1  }
0xc: {  	s13 =	sshrl.u32 @!p0 s2, $0x3;
	s7 =	sor.u32 s7, s5;
	s23 =	sshrl.u32 s4, $0x1  }
0xd: {  	s5 =	sshrl.u32 s7, $0x3;
	s7 =	sor.u32 $0x80, s7;
	s4 =	ssub.s32 s4, s23  }
0xe: {  	s23 =	simm.s32 $0x400;
	s0 =	sadd.s32 s5, s0;
	s24 =	sshrl.u32 s7, $0x3  }
0xf: {  	s7 =	sadd.s32 $0x80, s1;
	s26 =	smul.u32 $0x180, s5;
	s10 =	smax.u32 s4, $0x1  }
0x10: {  	s25 =	sadd.s32 $0xA00, s0;
	s11 =	smul.u32 $0x180, s24;
	s9 =	sadd.s32 $0xC00, s0  }
0x11: {  	s24 =	simm.s32 $0xC00;
	[dreg:$0x5] =	wrdreg s25;
	s12 =	sadd.s32 s26, s1  }
0x12: {  	s25 =	simm.s32 $0x12000;
	s26 =	simm.s32 $0x16000;
	s11 =	sadd.s32 s11, s1  }
.LBB2_1:
0x13: {  	s0 =	simm.s32 @!p0 $0x1C04;
	s4 =	rddreg [dreg:$0x4]  }
0x14: {  	[spmem:s13], [sflag:s0] =	dma.local @!p0 [hbm:s4], $0x6000  }
0x15: {  	s0 =	simm.s32 @!p0 $0x4  }
0x16: {  	_ =	swait.ge @!p0 [sflag:s0], $0x6000  }
0x17: {  	[sflag:s0] =	ssyncset.done @!p0 $0x0  }
0x18: {  	[sflag:s0] =	ssyncadd.s32 @!p0 $0xFFFFA000  }
0x19: {  	[bflag:$0x0] =	sbarrier.arrive $0xFFFF  }
0x1a: {  	s14 =	simm.s32 $0x40000;
	s6 =	rddreg [dreg:$0x5]  }
0x1b: {  	[tilespmem:s16], [sflag:$0x4] =	stream.strided.gather [hbm4b:s6+s31], $0x3000, s14, s31, $0x38;
	[tilespmem:$0x1E000] =	vst v63  }
0x1c: {  	_ =	swait.ge [sflag:s17], $0x3000  }
0x1d: {  	p1 =	por $0x1, $0x1;
	[sflag:s17] =	ssyncset.done $0x0  }
0x1e: {  	s0 =	simm.s32 @!p1 $0x2;
	[sflag:s17] =	ssyncadd.s32 $0xFFFFD000  }
0x1f: {  	_ =	swait.ge @!p1 [sflag:s0], $0x4000  }
0x20: {  	[sflag:s0] =	ssyncset.done @!p1 $0x0  }
0x21: {  	[sflag:s0] =	ssyncadd.s32 @!p1 $0xFFFFC000  }
0x22: {  	_ =	swait.ge @!p1 [sflag:s0], $0x4000  }
0x23: {  	[sflag:s0] =	ssyncset.done @!p1 $0x0  }
0x24: {  	[sflag:s0] =	ssyncadd.s32 @!p1 $0xFFFFC000  }
0x25: {  	_ =	swait.ge @!p1 [sflag:s0], $0x4000  }
0x26: {  	[sflag:s0] =	ssyncset.done @!p1 $0x0  }
0x27: {  	s15 =	simm.s32 $0x3000;
	[sflag:s0] =	ssyncadd.s32 @!p1 $0xFFFFC000  }
0x28: {  	[tilespmem:s19], [sflag:$0x1] =	stream.indirect.gather [spmem:s2], $0x80, s15, s18, $0xb8;
	[tilespmem:$0x1E000] =	vst v63  }
0x29: {  	s4 =	simm.s32 $0x4000  }
0x2a: {  	[tilespmem:s20], [sflag:$0x1] =	stream.indirect.gather [spmem:s2], $0x80, s4, s18, $0xb8;
	[tilespmem:$0x1E000] =	vst v63  }
0x2b: {  	s6 =	simm.s32 $0x5000  }
0x2c: {  	[tilespmem:s21], [sflag:$0x1] =	stream.indirect.gather [spmem:s2], $0x80, s6, s18, $0xb8;
	[tilespmem:$0x1E000] =	vst v63  }
0x2d: {  	_ =	swait.ge [sflag:s22], $0x4000  }
0x2e: {  	[sflag:s22] =	ssyncset.done $0x0  }
0x2f: {  	[sflag:s22] =	ssyncadd.s32 $0xFFFFC000  }
0x30: {  	_ =	swait.ge [sflag:s22], $0x4000  }
0x31: {  	[sflag:s22] =	ssyncset.done $0x0  }
0x32: {  	[sflag:s22] =	ssyncadd.s32 $0xFFFFC000  }
0x33: {  	_ =	swait.ge [sflag:s22], $0x4000  }
0x34: {  	[sflag:s22] =	ssyncset.done $0x0  }
0x35: {  	s14 =	sadd.s32 $0x0, s12;
	[sflag:s22] =	ssyncadd.s32 $0xFFFFC000  }
0x36: {  	[hbm4b:s14+s23] =	stream.strided.scatter [tilespmem:s19], [sflag:$0x2], $0x4000, s24, s23, $0x38;
	[tilespmem:$0x1E000] =	vst v63  }
0x37: {  	s15 =	sadd.s32 $0x80, s14  }
0x38: {  	[hbm4b:s15+s23] =	stream.strided.scatter [tilespmem:s20], [sflag:$0x2], $0x4000, s24, s23, $0x38;
	[tilespmem:$0x1E000] =	vst v63  }
0x39: {  	s0 =	sadd.s32 $0x100, s14;
	s4 =	simm.s32 @!p1 $0x3  }
0x3a: {  	[hbm4b:s0+s23] =	stream.strided.scatter [tilespmem:s21], [sflag:$0x2], $0x4000, s24, s23, $0x38;
	[tilespmem:$0x1E000] =	vst v63  }
0x3b: {  	_ =	swait.ge @!p1 [sflag:s4], $0x4000  }
0x3c: {  	[sflag:s4] =	ssyncset.done @!p1 $0x0  }
0x3d: {  	[sflag:s4] =	ssyncadd.s32 @!p1 $0xFFFFC000  }
0x3e: {  	_ =	swait.ge @!p1 [sflag:s4], $0x4000  }
0x3f: {  	[sflag:s4] =	ssyncset.done @!p1 $0x0  }
0x40: {  	[sflag:s4] =	ssyncadd.s32 @!p1 $0xFFFFC000  }
0x41: {  	_ =	swait.ge @!p1 [sflag:s4], $0x4000  }
0x42: {  	[sflag:s4] =	ssyncset.done @!p1 $0x0  }
0x43: {  	s6 =	simm.s32 $0x3080;
	[sflag:s4] =	ssyncadd.s32 @!p1 $0xFFFFC000  }
0x44: {  	[tilespmem:s25], [sflag:$0x1] =	stream.indirect.gather [spmem:s2], $0x80, s6, s18, $0xb8;
	[tilespmem:$0x1E000] =	vst v63  }
0x45: {  	s14 =	simm.s32 $0x4080  }
0x46: {  	[tilespmem:s26], [sflag:$0x1] =	stream.indirect.gather [spmem:s2], $0x80, s14, s18, $0xb8;
	[tilespmem:$0x1E000] =	vst v63  }
0x47: {  	s0 =	simm.s32 $0x5080  }
0x48: {  	[tilespmem:s28], [sflag:$0x1] =	stream.indirect.gather [spmem:s2], $0x80, s0, s18, $0xb8;
	[tilespmem:$0x1E000] =	vst v63  }
0x49: {  	_ =	swait.ge [sflag:s22], $0x4000  }
0x4a: {  	[sflag:s22] =	ssyncset.done $0x0  }
0x4b: {  	[sflag:s22] =	ssyncadd.s32 $0xFFFFC000  }
0x4c: {  	_ =	swait.ge [sflag:s22], $0x4000  }
0x4d: {  	[sflag:s22] =	ssyncset.done $0x0  }
0x4e: {  	[sflag:s22] =	ssyncadd.s32 $0xFFFFC000  }
0x4f: {  	_ =	swait.ge [sflag:s22], $0x4000  }
0x50: {  	s31 =	simm.s32 $0x3000;
	[sflag:s22] =	ssyncset.done $0x0  }
0x51: {  	s4 =	simm.s32 $0x6000;
	s6 =	sadd.s32 $0x0, s11;
	[sflag:s22] =	ssyncadd.s32 $0xFFFFC000  }
0x52: {  	[hbm4b:s6+s23] =	stream.strided.scatter [tilespmem:s25], [sflag:$0x3], $0x4000, s24, s23, $0x38;
	[tilespmem:$0x1E000] =	vst v63  }
0x53: {  	p1 =	por $0x0, $0x0;
	s15 =	sadd.s32 $0x80, s6;
	s14 =	sadd.s32 $0x100, s6  }
0x54: {  	[hbm4b:s15+s23] =	stream.strided.scatter [tilespmem:s26], [sflag:$0x3], $0x4000, s24, s23, $0x38;
	[tilespmem:$0x1E000] =	vst v63  }
.LBB2_2:
0x55: {  	s15 =	simm.s32 @!p1 $0x2  }
0x56: {  	s0 =	sadd.s32 $0x100, s0;
	s6 =	smov.u32 s4;
	s4 =	sadd.s32 $0x3000, s4  }
0x57: {  	[hbm4b:s14+s23] =	stream.strided.scatter [tilespmem:s28], [sflag:$0x3], $0x4000, s24, s23, $0x38;
	[tilespmem:$0x1E000] =	vst v63  }
0x58: {  	p2 =	sne.s32 s4, $0x30000;
	_ =	swait.ge @!p1 [sflag:s15], $0x4000  }
0x59: {  	[sflag:s15] =	ssyncset.done @!p1 $0x0  }
0x5a: {  	[sflag:s15] =	ssyncadd.s32 @!p1 $0xFFFFC000  }
0x5b: {  	_ =	swait.ge @!p1 [sflag:s15], $0x4000  }
0x5c: {  	[sflag:s15] =	ssyncset.done @!p1 $0x0  }
0x5d: {  	[sflag:s15] =	ssyncadd.s32 @!p1 $0xFFFFC000  }
0x5e: {  	_ =	swait.ge @!p1 [sflag:s15], $0x4000  }
0x5f: {  	[sflag:s15] =	ssyncset.done @!p1 $0x0  }
0x60: {  	s14 =	sadd.s32 $0xFFFFDF80, s0;
	[sflag:s15] =	ssyncadd.s32 @!p1 $0xFFFFC000  }
0x61: {  	[tilespmem:s19], [sflag:$0x1] =	stream.indirect.gather [spmem:s2], $0x80, s14, s18, $0xb8;
	[tilespmem:$0x1E000] =	vst v63  }
0x62: {  	s14 =	sadd.s32 $0xFFFFEF80, s0  }
0x63: {  	[tilespmem:s20], [sflag:$0x1] =	stream.indirect.gather [spmem:s2], $0x80, s14, s18, $0xb8;
	[tilespmem:$0x1E000] =	vst v63  }
0x64: {  	s14 =	sadd.s32 $0xFFFFFF80, s0  }
0x65: {  	[tilespmem:s21], [sflag:$0x1] =	stream.indirect.gather [spmem:s2], $0x80, s14, s18, $0xb8;
	[tilespmem:$0x1E000] =	vst v63  }
0x66: {  	_ =	swait.ge [sflag:s22], $0x4000  }
0x67: {  	[sflag:s22] =	ssyncset.done $0x0  }
0x68: {  	[sflag:s22] =	ssyncadd.s32 $0xFFFFC000  }
0x69: {  	_ =	swait.ge [sflag:s22], $0x4000  }
0x6a: {  	[sflag:s22] =	ssyncset.done $0x0  }
0x6b: {  	[sflag:s22] =	ssyncadd.s32 $0xFFFFC000  }
0x6c: {  	_ =	swait.ge [sflag:s22], $0x4000  }
0x6d: {  	[sflag:s22] =	ssyncset.done $0x0  }
0x6e: {  	s14 =	sadd.s32 s31, s12;
	[sflag:s22] =	ssyncadd.s32 $0xFFFFC000  }
0x6f: {  	[hbm4b:s14+s23] =	stream.strided.scatter [tilespmem:s19], [sflag:$0x2], $0x4000, s24, s23, $0x38;
	[tilespmem:$0x1E000] =	vst v63  }
0x70: {  	s15 =	sadd.s32 $0x80, s14  }
0x71: {  	[hbm4b:s15+s23] =	stream.strided.scatter [tilespmem:s20], [sflag:$0x2], $0x4000, s24, s23, $0x38;
	[tilespmem:$0x1E000] =	vst v63  }
0x72: {  	s14 =	sadd.s32 $0x100, s14;
	s15 =	simm.s32 @!p1 $0x3  }
0x73: {  	[hbm4b:s14+s23] =	stream.strided.scatter [tilespmem:s21], [sflag:$0x2], $0x4000, s24, s23, $0x38;
	[tilespmem:$0x1E000] =	vst v63  }
0x74: {  	_ =	swait.ge @!p1 [sflag:s15], $0x4000  }
0x75: {  	[sflag:s15] =	ssyncset.done @!p1 $0x0  }
0x76: {  	[sflag:s15] =	ssyncadd.s32 @!p1 $0xFFFFC000  }
0x77: {  	_ =	swait.ge @!p1 [sflag:s15], $0x4000  }
0x78: {  	[sflag:s15] =	ssyncset.done @!p1 $0x0  }
0x79: {  	[sflag:s15] =	ssyncadd.s32 @!p1 $0xFFFFC000  }
0x7a: {  	_ =	swait.ge @!p1 [sflag:s15], $0x4000  }
0x7b: {  	[sflag:s15] =	ssyncset.done @!p1 $0x0  }
0x7c: {  	s14 =	sadd.s32 $0xFFFFE000, s0;
	[sflag:s15] =	ssyncadd.s32 @!p1 $0xFFFFC000  }
0x7d: {  	[tilespmem:s25], [sflag:$0x1] =	stream.indirect.gather [spmem:s2], $0x80, s14, s18, $0xb8;
	[tilespmem:$0x1E000] =	vst v63  }
0x7e: {  	s14 =	sadd.s32 $0xFFFFF000, s0  }
0x7f: {  	[tilespmem:s26], [sflag:$0x1] =	stream.indirect.gather [spmem:s2], $0x80, s14, s18, $0xb8;
	[tilespmem:$0x1E000] =	vst v63  }
0x80: {  	_ = 	snop  }
0x81: {  	[tilespmem:s28], [sflag:$0x1] =	stream.indirect.gather [spmem:s2], $0x80, s0, s18, $0xb8;
	[tilespmem:$0x1E000] =	vst v63  }
0x82: {  	_ =	swait.ge [sflag:s22], $0x4000  }
0x83: {  	[sflag:s22] =	ssyncset.done $0x0  }
0x84: {  	[sflag:s22] =	ssyncadd.s32 $0xFFFFC000  }
0x85: {  	_ =	swait.ge [sflag:s22], $0x4000  }
0x86: {  	[sflag:s22] =	ssyncset.done $0x0  }
0x87: {  	[sflag:s22] =	ssyncadd.s32 $0xFFFFC000  }
0x88: {  	_ =	swait.ge [sflag:s22], $0x4000  }
.Ltmp0:
0x89: {  	[sflag:s22] =	ssyncset.done $0x0;
	(pc) =	sbr.rel @p2 .LBB2_2-.Ltmp0, $4  }
0x8a: {  	s14 =	sadd.s32 s31, s11;
	s31 =	smov.u32 s6;
	[sflag:s22] =	ssyncadd.s32 $0xFFFFC000  }
0x8b: {  	[hbm4b:s14+s23] =	stream.strided.scatter [tilespmem:s25], [sflag:$0x3], $0x4000, s24, s23, $0x38;
	[tilespmem:$0x1E000] =	vst v63  }
0x8c: {  	p1 =	seq.s32 s31, $0x0;
	s6 =	sadd.s32 $0x80, s14;
	s14 =	sadd.s32 $0x100, s14  }
0x8d: {  	[hbm4b:s6+s23] =	stream.strided.scatter [tilespmem:s26], [sflag:$0x3], $0x4000, s24, s23, $0x38;
	[tilespmem:$0x1E000] =	vst v63  }
0x8e: {  	s4 =	simm.s32 @!p1 $0x2  }
0x8f: {  	[hbm4b:s14+s23] =	stream.strided.scatter [tilespmem:s28], [sflag:$0x3], $0x4000, s24, s23, $0x38;
	[tilespmem:$0x1E000] =	vst v63  }
0x90: {  	_ =	swait.ge @!p1 [sflag:s4], $0x4000  }
0x91: {  	[sflag:s4] =	ssyncset.done @!p1 $0x0  }
0x92: {  	[sflag:s4] =	ssyncadd.s32 @!p1 $0xFFFFC000  }
0x93: {  	_ =	swait.ge @!p1 [sflag:s4], $0x4000  }
0x94: {  	[sflag:s4] =	ssyncset.done @!p1 $0x0  }
0x95: {  	[sflag:s4] =	ssyncadd.s32 @!p1 $0xFFFFC000  }
0x96: {  	_ =	swait.ge @!p1 [sflag:s4], $0x4000  }
0x97: {  	s0 =	sadd.s32 $0x100, s0;
	[sflag:s4] =	ssyncset.done @!p1 $0x0  }
0x98: {  	s15 =	sadd.s32 $0xFFFFDF80, s0;
	[sflag:s4] =	ssyncadd.s32 @!p1 $0xFFFFC000  }
0x99: {  	[tilespmem:s19], [sflag:$0x1] =	stream.indirect.gather [spmem:s2], $0x80, s15, s18, $0xb8;
	[tilespmem:$0x1E000] =	vst v63  }
0x9a: {  	s6 =	sadd.s32 $0xFFFFEF80, s0  }
0x9b: {  	[tilespmem:s20], [sflag:$0x1] =	stream.indirect.gather [spmem:s2], $0x80, s6, s18, $0xb8;
	[tilespmem:$0x1E000] =	vst v63  }
0x9c: {  	s14 =	sadd.s32 $0xFFFFFF80, s0  }
0x9d: {  	[tilespmem:s21], [sflag:$0x1] =	stream.indirect.gather [spmem:s2], $0x80, s14, s18, $0xb8;
	[tilespmem:$0x1E000] =	vst v63  }
0x9e: {  	_ =	swait.ge [sflag:s22], $0x4000  }
0x9f: {  	[sflag:s22] =	ssyncset.done $0x0  }
0xa0: {  	[sflag:s22] =	ssyncadd.s32 $0xFFFFC000  }
0xa1: {  	_ =	swait.ge [sflag:s22], $0x4000  }
0xa2: {  	[sflag:s22] =	ssyncset.done $0x0  }
0xa3: {  	[sflag:s22] =	ssyncadd.s32 $0xFFFFC000  }
0xa4: {  	_ =	swait.ge [sflag:s22], $0x4000  }
0xa5: {  	[sflag:s22] =	ssyncset.done $0x0  }
0xa6: {  	s15 =	sadd.s32 s31, s12;
	[sflag:s22] =	ssyncadd.s32 $0xFFFFC000  }
0xa7: {  	[hbm4b:s15+s23] =	stream.strided.scatter [tilespmem:s19], [sflag:$0x2], $0x4000, s24, s23, $0x38;
	[tilespmem:$0x1E000] =	vst v63  }
0xa8: {  	s6 =	sadd.s32 $0x80, s15  }
0xa9: {  	[hbm4b:s6+s23] =	stream.strided.scatter [tilespmem:s20], [sflag:$0x2], $0x4000, s24, s23, $0x38;
	[tilespmem:$0x1E000] =	vst v63  }
0xaa: {  	s4 =	sadd.s32 $0x100, s15  }
0xab: {  	[hbm4b:s4+s23] =	stream.strided.scatter [tilespmem:s21], [sflag:$0x2], $0x4000, s24, s23, $0x38;
	[tilespmem:$0x1E000] =	vst v63  }
0xac: {  	s4 =	simm.s32 @!p1 $0x3  }
0xad: {  	_ =	swait.ge @!p1 [sflag:s4], $0x4000  }
0xae: {  	[sflag:s4] =	ssyncset.done @!p1 $0x0  }
0xaf: {  	[sflag:s4] =	ssyncadd.s32 @!p1 $0xFFFFC000  }
0xb0: {  	_ =	swait.ge @!p1 [sflag:s4], $0x4000  }
0xb1: {  	[sflag:s4] =	ssyncset.done @!p1 $0x0  }
0xb2: {  	[sflag:s4] =	ssyncadd.s32 @!p1 $0xFFFFC000  }
0xb3: {  	_ =	swait.ge @!p1 [sflag:s4], $0x4000  }
0xb4: {  	[sflag:s4] =	ssyncset.done @!p1 $0x0  }
0xb5: {  	s6 =	sadd.s32 $0xFFFFE000, s0;
	[sflag:s4] =	ssyncadd.s32 @!p1 $0xFFFFC000  }
0xb6: {  	[tilespmem:s25], [sflag:$0x1] =	stream.indirect.gather [spmem:s2], $0x80, s6, s18, $0xb8;
	[tilespmem:$0x1E000] =	vst v63  }
0xb7: {  	s14 =	sadd.s32 $0xFFFFF000, s0  }
0xb8: {  	[tilespmem:s26], [sflag:$0x1] =	stream.indirect.gather [spmem:s2], $0x80, s14, s18, $0xb8;
	[tilespmem:$0x1E000] =	vst v63  }
0xb9: {  	_ = 	snop  }
0xba: {  	[tilespmem:s28], [sflag:$0x1] =	stream.indirect.gather [spmem:s2], $0x80, s0, s18, $0xb8;
	[tilespmem:$0x1E000] =	vst v63  }
0xbb: {  	_ =	swait.ge [sflag:s22], $0x4000  }
0xbc: {  	[sflag:s22] =	ssyncset.done $0x0  }
0xbd: {  	[sflag:s22] =	ssyncadd.s32 $0xFFFFC000  }
0xbe: {  	_ =	swait.ge [sflag:s22], $0x4000  }
0xbf: {  	[sflag:s22] =	ssyncset.done $0x0  }
0xc0: {  	[sflag:s22] =	ssyncadd.s32 $0xFFFFC000  }
0xc1: {  	_ =	swait.ge [sflag:s22], $0x4000  }
0xc2: {  	[sflag:s22] =	ssyncset.done $0x0  }
0xc3: {  	s15 =	sadd.s32 s31, s11;
	[sflag:s22] =	ssyncadd.s32 $0xFFFFC000  }
0xc4: {  	[hbm4b:s15+s23] =	stream.strided.scatter [tilespmem:s25], [sflag:$0x3], $0x4000, s24, s23, $0x38;
	[tilespmem:$0x1E000] =	vst v63  }
0xc5: {  	s6 =	sadd.s32 $0x80, s15  }
0xc6: {  	[hbm4b:s6+s23] =	stream.strided.scatter [tilespmem:s26], [sflag:$0x3], $0x4000, s24, s23, $0x38;
	[tilespmem:$0x1E000] =	vst v63  }
0xc7: {  	s0 =	sadd.s32 $0x100, s15  }
0xc8: {  	[hbm4b:s0+s23] =	stream.strided.scatter [tilespmem:s28], [sflag:$0x3], $0x4000, s24, s23, $0x38;
	[tilespmem:$0x1E000] =	vst v63  }
0xc9: {  	s31 =	simm.s32 $0x1000;
	s14 =	simm.s32 $0x40000  }
0xca: {  	[tilespmem:s16], [sflag:$0x4] =	stream.strided.gather [hbm4b:s9+s31], $0x3000, s14, s31, $0x38;
	[tilespmem:$0x1E000] =	vst v63  }
0xcb: {  	_ =	swait.ge [sflag:s17], $0x3000  }
0xcc: {  	[sflag:s17] =	ssyncset.done $0x0  }
0xcd: {  	[sflag:s17] =	ssyncadd.s32 $0xFFFFD000  }
0xce: {  	_ =	swait.ge [sflag:s29], $0x4000  }
0xcf: {  	[sflag:s29] =	ssyncset.done $0x0  }
0xd0: {  	[sflag:s29] =	ssyncadd.s32 $0xFFFFC000  }
0xd1: {  	_ =	swait.ge [sflag:s29], $0x4000  }
0xd2: {  	[sflag:s29] =	ssyncset.done $0x0  }
0xd3: {  	[sflag:s29] =	ssyncadd.s32 $0xFFFFC000  }
0xd4: {  	_ =	swait.ge [sflag:s29], $0x4000  }
0xd5: {  	[sflag:s29] =	ssyncset.done $0x0  }
0xd6: {  	s15 =	simm.s32 $0x3000;
	[sflag:s29] =	ssyncadd.s32 $0xFFFFC000  }
0xd7: {  	[tilespmem:s19], [sflag:$0x1] =	stream.indirect.gather [spmem:s2], $0x80, s15, s18, $0xb8;
	[tilespmem:$0x1E000] =	vst v63  }
0xd8: {  	s4 =	simm.s32 $0x4000  }
0xd9: {  	[tilespmem:s20], [sflag:$0x1] =	stream.indirect.gather [spmem:s2], $0x80, s4, s18, $0xb8;
	[tilespmem:$0x1E000] =	vst v63  }
0xda: {  	s6 =	simm.s32 $0x5000  }
0xdb: {  	[tilespmem:s21], [sflag:$0x1] =	stream.indirect.gather [spmem:s2], $0x80, s6, s18, $0xb8;
	[tilespmem:$0x1E000] =	vst v63  }
0xdc: {  	_ =	swait.ge [sflag:s22], $0x4000  }
0xdd: {  	[sflag:s22] =	ssyncset.done $0x0  }
0xde: {  	[sflag:s22] =	ssyncadd.s32 $0xFFFFC000  }
0xdf: {  	_ =	swait.ge [sflag:s22], $0x4000  }
0xe0: {  	[sflag:s22] =	ssyncset.done $0x0  }
0xe1: {  	s14 =	sor.u32 $0x200, s5;
	[sflag:s22] =	ssyncadd.s32 $0xFFFFC000  }
0xe2: {  	s0 =	smul.u32 $0x180, s14;
	_ =	swait.ge [sflag:s22], $0x4000  }
0xe3: {  	[sflag:s22] =	ssyncset.done $0x0  }
0xe4: {  	s15 =	sadd.s32 s1, s0;
	[sflag:s22] =	ssyncadd.s32 $0xFFFFC000  }
0xe5: {  	[hbm4b:s15+s23] =	stream.strided.scatter [tilespmem:s19], [sflag:$0x2], $0x4000, s24, s23, $0x38;
	[tilespmem:$0x1E000] =	vst v63  }
0xe6: {  	s6 =	sadd.s32 s0, s7  }
0xe7: {  	[hbm4b:s6+s23] =	stream.strided.scatter [tilespmem:s20], [sflag:$0x2], $0x4000, s24, s23, $0x38;
	[tilespmem:$0x1E000] =	vst v63  }
0xe8: {  	s0 =	sadd.s32 s0, s8  }
0xe9: {  	[hbm4b:s0+s23] =	stream.strided.scatter [tilespmem:s21], [sflag:$0x2], $0x4000, s24, s23, $0x38;
	[tilespmem:$0x1E000] =	vst v63  }
0xea: {  	_ =	swait.ge [sflag:s30], $0x4000  }
0xeb: {  	[sflag:s30] =	ssyncset.done $0x0  }
0xec: {  	[sflag:s30] =	ssyncadd.s32 $0xFFFFC000  }
0xed: {  	_ =	swait.ge [sflag:s30], $0x4000  }
0xee: {  	[sflag:s30] =	ssyncset.done $0x0  }
0xef: {  	[sflag:s30] =	ssyncadd.s32 $0xFFFFC000  }
0xf0: {  	_ =	swait.ge [sflag:s30], $0x4000  }
0xf1: {  	[sflag:s30] =	ssyncset.done $0x0  }
0xf2: {  	s14 =	simm.s32 $0x3080;
	[sflag:s30] =	ssyncadd.s32 $0xFFFFC000  }
0xf3: {  	[tilespmem:s25], [sflag:$0x1] =	stream.indirect.gather [spmem:s2], $0x80, s14, s18, $0xb8;
	[tilespmem:$0x1E000] =	vst v63  }
0xf4: {  	s15 =	simm.s32 $0x4080  }
0xf5: {  	[tilespmem:s26], [sflag:$0x1] =	stream.indirect.gather [spmem:s2], $0x80, s15, s18, $0xb8;
	[tilespmem:$0x1E000] =	vst v63  }
0xf6: {  	s4 =	simm.s32 $0x5080  }
0xf7: {  	[tilespmem:s28], [sflag:$0x1] =	stream.indirect.gather [spmem:s2], $0x80, s4, s18, $0xb8;
	[tilespmem:$0x1E000] =	vst v63  }
0xf8: {  	_ =	swait.ge [sflag:s22], $0x4000  }
0xf9: {  	[sflag:s22] =	ssyncset.done $0x0  }
0xfa: {  	[sflag:s22] =	ssyncadd.s32 $0xFFFFC000  }
0xfb: {  	_ =	swait.ge [sflag:s22], $0x4000  }
0xfc: {  	[sflag:s22] =	ssyncset.done $0x0  }
0xfd: {  	s6 =	sor.u32 $0x210, s5;
	[sflag:s22] =	ssyncadd.s32 $0xFFFFC000  }
0xfe: {  	s14 =	smul.u32 $0x180, s6;
	_ =	swait.ge [sflag:s22], $0x4000  }
0xff: {  	[sflag:s22] =	ssyncset.done $0x0  }
0x100: {  	s0 =	sadd.s32 s1, s14;
	s15 =	sadd.s32 s14, s7;
	[sflag:s22] =	ssyncadd.s32 $0xFFFFC000  }
0x101: {  	[hbm4b:s0+s23] =	stream.strided.scatter [tilespmem:s25], [sflag:$0x3], $0x4000, s24, s23, $0x38;
	[tilespmem:$0x1E000] =	vst v63  }
0x102: {  	s6 =	sadd.s32 s14, s8;
	s4 =	sadd.s32 $0x20, s5;
	s0 =	simm.s32 $0x400  }
0x103: {  	[hbm4b:s15+s23] =	stream.strided.scatter [tilespmem:s26], [sflag:$0x3], $0x4000, s24, s23, $0x38;
	[tilespmem:$0x1E000] =	vst v63  }
.LBB2_4:
0x104: {  	[hbm4b:s6+s23] =	stream.strided.scatter [tilespmem:s28], [sflag:$0x3], $0x4000, s24, s23, $0x38;
	[tilespmem:$0x1E000] =	vst v63  }
0x105: {  	s6 =	smov.u32 s0  }
0x106: {  	p1 =	sne.s32 s0, $0x3C00;
	s0 =	sadd.s32 $0x400, s0;
	_ =	swait.ge [sflag:s29], $0x4000  }
0x107: {  	[sflag:s29] =	ssyncset.done $0x0  }
0x108: {  	[sflag:s29] =	ssyncadd.s32 $0xFFFFC000  }
0x109: {  	_ =	swait.ge [sflag:s29], $0x4000  }
0x10a: {  	[sflag:s29] =	ssyncset.done $0x0  }
0x10b: {  	[sflag:s29] =	ssyncadd.s32 $0xFFFFC000  }
0x10c: {  	_ =	swait.ge [sflag:s29], $0x4000  }
0x10d: {  	s6 =	sshra.s32 s6, $0x2;
	[sflag:s29] =	ssyncset.done $0x0  }
0x10e: {  	s14 =	sadd.s32 $0x3000, s6;
	[sflag:s29] =	ssyncadd.s32 $0xFFFFC000  }
0x10f: {  	[tilespmem:s19], [sflag:$0x1] =	stream.indirect.gather [spmem:s2], $0x80, s14, s18, $0xb8;
	[tilespmem:$0x1E000] =	vst v63  }
0x110: {  	s14 =	sadd.s32 $0x4000, s6  }
0x111: {  	[tilespmem:s20], [sflag:$0x1] =	stream.indirect.gather [spmem:s2], $0x80, s14, s18, $0xb8;
	[tilespmem:$0x1E000] =	vst v63  }
0x112: {  	s14 =	sadd.s32 $0x5000, s6  }
0x113: {  	[tilespmem:s21], [sflag:$0x1] =	stream.indirect.gather [spmem:s2], $0x80, s14, s18, $0xb8;
	[tilespmem:$0x1E000] =	vst v63  }
0x114: {  	_ =	swait.ge [sflag:s22], $0x4000  }
0x115: {  	[sflag:s22] =	ssyncset.done $0x0  }
0x116: {  	[sflag:s22] =	ssyncadd.s32 $0xFFFFC000  }
0x117: {  	_ =	swait.ge [sflag:s22], $0x4000  }
0x118: {  	[sflag:s22] =	ssyncset.done $0x0  }
0x119: {  	s14 =	sor.u32 $0x200, s4;
	[sflag:s22] =	ssyncadd.s32 $0xFFFFC000  }
0x11a: {  	s14 =	smul.u32 $0x180, s14;
	_ =	swait.ge [sflag:s22], $0x4000  }
0x11b: {  	[sflag:s22] =	ssyncset.done $0x0  }
0x11c: {  	s15 =	sadd.s32 s1, s14;
	[sflag:s22] =	ssyncadd.s32 $0xFFFFC000  }
0x11d: {  	[hbm4b:s15+s23] =	stream.strided.scatter [tilespmem:s19], [sflag:$0x2], $0x4000, s24, s23, $0x38;
	[tilespmem:$0x1E000] =	vst v63  }
0x11e: {  	s15 =	sadd.s32 s14, s7  }
0x11f: {  	[hbm4b:s15+s23] =	stream.strided.scatter [tilespmem:s20], [sflag:$0x2], $0x4000, s24, s23, $0x38;
	[tilespmem:$0x1E000] =	vst v63  }
0x120: {  	s14 =	sadd.s32 s14, s8  }
0x121: {  	[hbm4b:s14+s23] =	stream.strided.scatter [tilespmem:s21], [sflag:$0x2], $0x4000, s24, s23, $0x38;
	[tilespmem:$0x1E000] =	vst v63  }
0x122: {  	_ =	swait.ge [sflag:s30], $0x4000  }
0x123: {  	[sflag:s30] =	ssyncset.done $0x0  }
0x124: {  	[sflag:s30] =	ssyncadd.s32 $0xFFFFC000  }
0x125: {  	_ =	swait.ge [sflag:s30], $0x4000  }
0x126: {  	[sflag:s30] =	ssyncset.done $0x0  }
0x127: {  	[sflag:s30] =	ssyncadd.s32 $0xFFFFC000  }
0x128: {  	_ =	swait.ge [sflag:s30], $0x4000  }
0x129: {  	[sflag:s30] =	ssyncset.done $0x0  }
0x12a: {  	s14 =	sadd.s32 $0x3080, s6;
	[sflag:s30] =	ssyncadd.s32 $0xFFFFC000  }
0x12b: {  	[tilespmem:s25], [sflag:$0x1] =	stream.indirect.gather [spmem:s2], $0x80, s14, s18, $0xb8;
	[tilespmem:$0x1E000] =	vst v63  }
0x12c: {  	s14 =	sadd.s32 $0x4080, s6  }
0x12d: {  	[tilespmem:s26], [sflag:$0x1] =	stream.indirect.gather [spmem:s2], $0x80, s14, s18, $0xb8;
	[tilespmem:$0x1E000] =	vst v63  }
0x12e: {  	s6 =	sadd.s32 $0x5080, s6  }
0x12f: {  	[tilespmem:s28], [sflag:$0x1] =	stream.indirect.gather [spmem:s2], $0x80, s6, s18, $0xb8;
	[tilespmem:$0x1E000] =	vst v63  }
0x130: {  	_ =	swait.ge [sflag:s22], $0x4000  }
0x131: {  	[sflag:s22] =	ssyncset.done $0x0  }
0x132: {  	[sflag:s22] =	ssyncadd.s32 $0xFFFFC000  }
0x133: {  	_ =	swait.ge [sflag:s22], $0x4000  }
0x134: {  	[sflag:s22] =	ssyncset.done $0x0  }
0x135: {  	s6 =	sor.u32 $0x210, s4;
	[sflag:s22] =	ssyncadd.s32 $0xFFFFC000  }
0x136: {  	s6 =	smul.u32 $0x180, s6;
	_ =	swait.ge [sflag:s22], $0x4000  }
0x137: {  	[sflag:s22] =	ssyncset.done $0x0  }
.Ltmp1:
0x138: {  	s14 =	sadd.s32 s1, s6;
	[sflag:s22] =	ssyncadd.s32 $0xFFFFC000;
	(pc) =	sbr.rel @p1 .LBB2_4-.Ltmp1, $4  }
0x139: {  	[hbm4b:s14+s23] =	stream.strided.scatter [tilespmem:s25], [sflag:$0x3], $0x4000, s24, s23, $0x38;
	[tilespmem:$0x1E000] =	vst v63  }
0x13a: {  	s14 =	sadd.s32 s6, s7  }
0x13b: {  	[hbm4b:s14+s23] =	stream.strided.scatter [tilespmem:s26], [sflag:$0x3], $0x4000, s24, s23, $0x38;
	[tilespmem:$0x1E000] =	vst v63  }
0x13c: {  	s4 =	sadd.s32 $0x20, s4;
	s6 =	sadd.s32 s6, s8  }
0x13d: {  	[hbm4b:s6+s23] =	stream.strided.scatter [tilespmem:s28], [sflag:$0x3], $0x4000, s24, s23, $0x38;
	[tilespmem:$0x1E000] =	vst v63  }
0x13e: {  	_ =	swait.ge [sflag:s29], $0x4000  }
0x13f: {  	[sflag:s29] =	ssyncset.done $0x0  }
0x140: {  	[sflag:s29] =	ssyncadd.s32 $0xFFFFC000  }
0x141: {  	_ =	swait.ge [sflag:s29], $0x4000  }
0x142: {  	[sflag:s29] =	ssyncset.done $0x0  }
0x143: {  	[sflag:s29] =	ssyncadd.s32 $0xFFFFC000  }
0x144: {  	_ =	swait.ge [sflag:s29], $0x4000  }
0x145: {  	[sflag:s29] =	ssyncset.done $0x0  }
0x146: {  	[sflag:s29] =	ssyncadd.s32 $0xFFFFC000  }
0x147: {  	_ =	swait.ge [sflag:s30], $0x4000  }
0x148: {  	[sflag:s30] =	ssyncset.done $0x0  }
0x149: {  	s3 =	sadd.s32 $0x1, s3;
	[sflag:s30] =	ssyncadd.s32 $0xFFFFC000  }
0x14a: {  	p1 =	sne.s32 s3, s10;
	_ =	swait.ge [sflag:s30], $0x4000  }
.Ltmp2:
0x14b: {  	[sflag:s30] =	ssyncset.done $0x0;
	(pc) =	sbr.rel @p1 .LBB2_1-.Ltmp2, $4  }
0x14c: {  	[sflag:s30] =	ssyncadd.s32 $0xFFFFC000  }
0x14d: {  	_ =	swait.ge [sflag:s30], $0x4000  }
0x14e: {  	[sflag:s30] =	ssyncset.done $0x0  }
0x14f: {  	[sflag:s30] =	ssyncadd.s32 $0xFFFFC000  }
0x150: {  	_ =	sfence.sel $0x180000  }
0x151: {  	[bflag:$0x0] =	sbarrier.arrive $0xFFFF  }
0x152: {  	_ =	strace $0x90000047  }
0x153: {  	[bflag:$0x2] =	sbarrier.arrive $0xFFFF  }
0x154: {  	s0 =	rddreg [dreg:$0x3]  }
0x155: {  	s0 =	sadd.s32 @!p0 $0x100000, s0  }
0x156: {  	[sflag:s0] =	ssyncadd.tile.s32 @!p0 $0x1;
	_ =	shalt  }
.Lfunc_end2:
_tile_overlayer_lowered:
.L_overlay_start_2:
0x157: {  	(tag) =	ssettag $0x2  }
0x158: {  	s0 =	rddreg [dreg:$0x0];
	s2 =	stileid.u32  }
0x159: {  	s1 =	rddreg [dreg:$0x1];
	p0 =	sne.s32 s2, $0x0  }
0x15a: {  	s3 =	rddreg [dreg:$0x2];
	[bflag:$0x3] =	sbarrier.arrive $0xFFFF;
	s2 =	simm.s32 @!p0 $0x1C04  }
0x15b: {  	[timem:s3], [sflag:s2] =	dma.local @!p0 [hbm:s0], s1  }
0x15c: {  	s0 =	simm.s32 @!p0 $0x4  }
0x15d: {  	_ =	swait.ge @!p0 [sflag:s0], s1  }
0x15e: {  	s1 =	ssub.s32 @!p0 $0x0, s1;
	[sflag:s0] =	ssyncset.done @!p0 $0x0  }
0x15f: {  	[sflag:s0] =	ssyncadd.s32 @!p0 s1  }
0x160: {  	[bflag:$0x3] =	sbarrier.arrive $0xFFFF  }
0x161: {  	_ =	shalt  }

</sc_bundles>
